<compile_context>
chip_gen: v7x
topology: tpu7x:2x2x1
jax: 0.10.2.dev20260603
libtpu: 0.0.44.dev20260713+nightly
codegen_flags: <defaults>
</compile_context>

<pallas_src>
import functools

import jax
import jax.numpy as jnp
from jax import lax
from jax.experimental import pallas as pl
from jax.experimental.pallas import tpu as pltpu
from jax.experimental.pallas import tpu_sc as plsc

D_MODEL = 768
NUM_EXPERTS = 16
D_FF = 4 * D_MODEL
N_TOK = 2048
TILE = 128
NT = N_TOK // TILE + NUM_EXPERTS
P = NT * TILE
NC, NS = 2, 16
NW = NC * NS
LANES = 16



def _route_body(x_ref, gw_ref, gb_ref, pos_ref, wtok_ref, ex_ref, valid_ref):
    x = x_ref[...]
    gw = gw_ref[...]
    gb = gb_ref[...]
    logits = lax.dot_general(gw, x, (((0,), (1,)), ((), ())),
                             preferred_element_type=jnp.float32) + gb
    m = jnp.max(logits, axis=0, keepdims=True)
    e = jnp.exp(logits - m)
    w = e / jnp.sum(e, axis=0, keepdims=True)
    wmax = jnp.max(w, axis=0, keepdims=True)
    eids = lax.broadcasted_iota(jnp.int32, (NUM_EXPERTS, N_TOK), 0)
    expert = jnp.min(jnp.where(w == wmax, eids, NUM_EXPERTS), axis=0,
                     keepdims=True)
    onehot = (eids == expert).astype(jnp.float32)

    stu_r = lax.broadcasted_iota(jnp.int32, (TILE, TILE), 0)
    stu_c = lax.broadcasted_iota(jnp.int32, (TILE, TILE), 1)
    stu = (stu_r < stu_c).astype(jnp.float32)
    ranks = []
    counts = jnp.zeros((NUM_EXPERTS, 1), jnp.float32)
    for c in range(N_TOK // TILE):
        oh_c = onehot[:, c * TILE:(c + 1) * TILE]
        cs = jnp.dot(oh_c, stu, preferred_element_type=jnp.float32) + counts
        ranks.append(jnp.sum(cs * oh_c, axis=0, keepdims=True))
        counts = counts + jnp.sum(oh_c, axis=1, keepdims=True)
    rank = jnp.concatenate(ranks, axis=1)

    tiles = jnp.ceil(counts / TILE)
    ee_r = lax.broadcasted_iota(jnp.int32, (NUM_EXPERTS, NUM_EXPERTS), 0)
    ee_c = lax.broadcasted_iota(jnp.int32, (NUM_EXPERTS, NUM_EXPERTS), 1)
    inc = jnp.dot((ee_c <= ee_r).astype(jnp.float32), tiles,
                  preferred_element_type=jnp.float32)
    pad_start = TILE * (inc - tiles)

    pos = jnp.sum(onehot * pad_start, axis=0, keepdims=True) + rank
    pos_ref[...] = pos.astype(jnp.int32)
    wtok_ref[...] = wmax

    total = jnp.max(inc)
    it = lax.broadcasted_iota(jnp.int32, (NUM_EXPERTS, NT), 1).astype(jnp.float32)
    ex_full = jnp.sum((jnp.broadcast_to(inc, (NUM_EXPERTS, NT)) <= it)
                      .astype(jnp.int32), axis=0, keepdims=True)
    ex_last = jnp.sum((inc <= total - 1.0).astype(jnp.int32), axis=0,
                      keepdims=True)
    trow = lax.broadcasted_iota(jnp.int32, (1, NT), 1).astype(jnp.float32)
    valid = trow < total
    ex = jnp.where(valid, jnp.minimum(ex_full, NUM_EXPERTS - 1),
                   jnp.broadcast_to(ex_last, (1, NT)))
    ex_ref[...] = ex
    valid_ref[...] = valid.astype(jnp.int32)


def _route(x_flat, gate_w, gate_b):
    return pl.pallas_call(
        _route_body,
        out_shape=[
            jax.ShapeDtypeStruct((1, N_TOK), jnp.int32),
            jax.ShapeDtypeStruct((1, N_TOK), jnp.float32),
            jax.ShapeDtypeStruct((1, NT), jnp.int32),
            jax.ShapeDtypeStruct((1, NT), jnp.int32),
        ],
    )(x_flat, gate_w, gate_b.reshape(NUM_EXPERTS, 1))



@functools.lru_cache(maxsize=None)
def _build_sc_scatter():
    mesh = plsc.VectorSubcoreMesh(core_axis_name="c", subcore_axis_name="s",
                                  num_cores=NC, num_subcores=NS)

    @functools.partial(
        pl.kernel,
        out_type=[
            jax.ShapeDtypeStruct((P, D_MODEL), jnp.float32),
            jax.ShapeDtypeStruct((P, 128), jnp.float32),
        ],
        mesh=mesh,
        scratch_types=[
            pltpu.VMEM((_TOK_W,), jnp.int32),
            pltpu.VMEM((_TOK_W,), jnp.float32),
            pltpu.VMEM((_TOK_W, D_MODEL), jnp.float32),
            pltpu.VMEM((_TOK_W, 128), jnp.float32),
            pltpu.SemaphoreType.DMA,
            pltpu.SemaphoreType.DMA,
            pltpu.SemaphoreType.DMA,
        ],
        compiler_params=pltpu.CompilerParams(needs_layout_passes=False),
    )
    def _sc_scatter(x_hbm, pos_hbm, wtok_hbm, xs_hbm, ws_hbm,
                    pos_v, wtok_v, rows_v, wrows_v, sem_p, sem_r, sem_w):
        wid = lax.axis_index("s") * NC + lax.axis_index("c")
        base = wid * _TOK_W
        cp_p = pltpu.async_copy(pos_hbm.at[0, pl.ds(base, _TOK_W)], pos_v, sem_p)
        cp_r = pltpu.async_copy(x_hbm.at[pl.ds(base, _TOK_W)], rows_v, sem_r)
        cp_w = pltpu.async_copy(wtok_hbm.at[0, pl.ds(base, _TOK_W)], wtok_v, sem_w)
        cp_p.wait()
        cp_r.wait()
        s_r = pltpu.async_copy(rows_v, xs_hbm.at[pos_v], sem_r)
        cp_w.wait()

        def wrow_body(c, carry):
            chunk = wtok_v[pl.ds(c * LANES, LANES)]
            for l in range(LANES):
                wrows_v[c * LANES + l, pl.ds(0, LANES)] = jnp.full(
                    (LANES,), chunk[l], jnp.float32)
            return carry

        lax.fori_loop(0, _TOK_W // LANES, wrow_body, 0)
        s_w = pltpu.async_copy(wrows_v, ws_hbm.at[pos_v], sem_w)
        s_w.wait()
        s_r.wait()

    return _sc_scatter




def _ffn_body(ex_ref, valid_ref, xs_ref, w1_ref, b1_ref, w2_ref, b2_ref,
              ws_ref, ys_ref):
    i = pl.program_id(0)

    @pl.when(valid_ref[0, i] != 0)
    def _():
        xt = xs_ref[...].astype(jnp.bfloat16)
        h = jnp.dot(xt, w1_ref[0].astype(jnp.bfloat16),
                    preferred_element_type=jnp.float32)
        h = h + b1_ref[0]
        h = h * 0.5 * (1.0 + lax.erf(h * 0.7071067811865476))
        y = jnp.dot(h.astype(jnp.bfloat16), w2_ref[0].astype(jnp.bfloat16),
                    preferred_element_type=jnp.float32)
        ys_ref[...] = (y + b2_ref[0]) * ws_ref[...][:, 0:1]


def _ffn(ex, valid, xs, w1, b1, w2, b2, ws_col):
    grid_spec = pltpu.PrefetchScalarGridSpec(
        num_scalar_prefetch=2,
        grid=(NT,),
        in_specs=[
            pl.BlockSpec((TILE, D_MODEL), lambda i, ex, v: (i, 0)),
            pl.BlockSpec((1, D_MODEL, D_FF), lambda i, ex, v: (ex[0, i], 0, 0)),
            pl.BlockSpec((1, 1, D_FF), lambda i, ex, v: (ex[0, i], 0, 0)),
            pl.BlockSpec((1, D_FF, D_MODEL), lambda i, ex, v: (ex[0, i], 0, 0)),
            pl.BlockSpec((1, 1, D_MODEL), lambda i, ex, v: (ex[0, i], 0, 0)),
            pl.BlockSpec((TILE, 128), lambda i, ex, v: (i, 0)),
        ],
        out_specs=pl.BlockSpec((TILE, D_MODEL), lambda i, ex, v: (i, 0)),
    )
    return pl.pallas_call(
        _ffn_body,
        grid_spec=grid_spec,
        out_shape=jax.ShapeDtypeStruct((P, D_MODEL), jnp.float32),
        compiler_params=pltpu.CompilerParams(
            dimension_semantics=("arbitrary",),
            vmem_limit_bytes=100 * 1024 * 1024),
    )(ex, valid, xs,
      w1, b1.reshape(NUM_EXPERTS, 1, D_FF),
      w2, b2.reshape(NUM_EXPERTS, 1, D_MODEL), ws_col)



_TOK_W = N_TOK // NW


@functools.lru_cache(maxsize=None)
def _build_sc_gather():
    mesh = plsc.VectorSubcoreMesh(core_axis_name="c", subcore_axis_name="s",
                                  num_cores=NC, num_subcores=NS)

    @functools.partial(
        pl.kernel,
        out_type=jax.ShapeDtypeStruct((N_TOK, D_MODEL), jnp.float32),
        mesh=mesh,
        scratch_types=[
            pltpu.VMEM((_TOK_W,), jnp.int32),
            pltpu.VMEM((_TOK_W, D_MODEL), jnp.float32),
            pltpu.SemaphoreType.DMA,
        ],
        compiler_params=pltpu.CompilerParams(needs_layout_passes=False),
    )
    def _sc_gather(ys_hbm, pos_hbm, out_hbm, pos_v, rows_v, sem):
        wid = lax.axis_index("s") * NC + lax.axis_index("c")
        pltpu.sync_copy(pos_hbm.at[0, pl.ds(wid * _TOK_W, _TOK_W)], pos_v)
        pltpu.async_copy(ys_hbm.at[pos_v], rows_v, sem).wait()
        pltpu.sync_copy(rows_v, out_hbm.at[pl.ds(wid * _TOK_W, _TOK_W)])

    return _sc_gather




def kernel(x, gate_w, gate_b, w1, b1, w2, b2):
    batch, seq_len, hidden = x.shape
    x_flat = x.reshape(N_TOK, D_MODEL)
    pos, wtok, ex, valid = _route(x_flat, gate_w, gate_b)
    xs, ws = _build_sc_scatter()(x_flat, pos, wtok)
    ys = _ffn(ex, valid, xs, w1, b1, w2, b2, ws)
    out = _build_sc_gather()(ys, pos)
    return out.reshape(batch, seq_len, hidden)

# --- scband reference (transcript-rebuilt; emitter-appended) ---
"""Pipeline reference for scband-sparse-mo-e-58454504899319 (READ-ONLY COPY).

The authoritative reference and input builder live on the scoring server;
editing this copy changes nothing except your own understanding.
"""

import jax, jax.numpy as jnp
import numpy as np

D_MODEL = 768
NUM_EXPERTS = 16
TOP_K = 1
D_FF = 4 * D_MODEL


def setup_inputs(seed: int = 0) -> dict:
    key = jax.random.key(seed)
    ks = jax.random.split(key, 6)
    x = jax.random.normal(ks[0], (1, 2048, D_MODEL), dtype=jnp.float32)
    gate_w = jax.random.normal(ks[1], (D_MODEL, NUM_EXPERTS), dtype=jnp.float32) * (1.0 / np.sqrt(D_MODEL))
    gate_b = jnp.zeros((NUM_EXPERTS,), dtype=jnp.float32)
    w1 = jax.random.normal(ks[2], (NUM_EXPERTS, D_MODEL, D_FF), dtype=jnp.float32) * (1.0 / np.sqrt(D_MODEL))
    b1 = jnp.zeros((NUM_EXPERTS, D_FF), dtype=jnp.float32)
    w2 = jax.random.normal(ks[3], (NUM_EXPERTS, D_FF, D_MODEL), dtype=jnp.float32) * (1.0 / np.sqrt(D_FF))
    b2 = jnp.zeros((NUM_EXPERTS, D_MODEL), dtype=jnp.float32)
    return {"x": x, "gate_w": gate_w, "gate_b": gate_b, "w1": w1, "b1": b1, "w2": w2, "b2": b2}


def reference(x, gate_w, gate_b, w1, b1, w2, b2):
    batch, seq_len, hidden = x.shape
    x_flat = x.reshape(-1, hidden)
    logits = x_flat @ gate_w + gate_b
    weights = jax.nn.softmax(logits, axis=-1)
    topk_weights, topk_indices = jax.lax.top_k(weights, TOP_K)
    output = jnp.zeros_like(x_flat)
    for k in range(TOP_K):
        expert_ids = topk_indices[:, k]
        expert_weight = topk_weights[:, k][:, None]
        expert_out = jnp.zeros_like(x_flat)
        for e in range(NUM_EXPERTS):
            mask = (expert_ids == e)[:, None]
            h = jax.nn.gelu(x_flat @ w1[e] + b1[e], approximate=False)
            y = h @ w2[e] + b2[e]
            expert_out = jnp.where(mask, y, expert_out)
        output = output + expert_out * expert_weight
    return output.reshape(batch, seq_len, hidden)

if __name__ == "__main__":
    import jax
    _d = setup_inputs()
    print(jax.jit(kernel)(*tuple(_d.values())))

</pallas_src>

<mosaic_0001>
#map = affine_map<(d0, d1) -> (0, 0)>
module attributes {stable_mosaic.version = 14 : i64} {
  func.func @_sc_scatter(%arg0: i32, %arg1: i32, %arg2: memref<2048x768xf32, #tpu.memory_space<hbm>>, %arg3: memref<1x2048xi32, #tpu.memory_space<hbm>>, %arg4: memref<1x2048xf32, #tpu.memory_space<hbm>>, %arg5: memref<4096x768xf32, #tpu.memory_space<hbm>>, %arg6: memref<4096x128xf32, #tpu.memory_space<hbm>>, %arg7: memref<64xi32, #tpu.memory_space<vmem>>, %arg8: memref<64xf32, #tpu.memory_space<vmem>>, %arg9: memref<64x768xf32, #tpu.memory_space<vmem>>, %arg10: memref<64x128xf32, #tpu.memory_space<vmem>>, %arg11: memref<!tpu.dma_semaphore, #tpu.memory_space<semaphore_mem>>, %arg12: memref<!tpu.dma_semaphore, #tpu.memory_space<semaphore_mem>>, %arg13: memref<!tpu.dma_semaphore, #tpu.memory_space<semaphore_mem>>) attributes {dimension_semantics = [#tpu.dimension_semantics<core_parallel>, #tpu.dimension_semantics<subcore_parallel>], iteration_bounds = array<i64: 2, 16>, scalar_prefetch = 0 : i64, scratch_operands = 7 : i64, tpu.core_type = #tpu.core_type<sc_vector_subcore>, window_params = [{transform_indices = #map}, {transform_indices = #map}, {transform_indices = #map}, {transform_indices = #map}, {transform_indices = #map}]} {
    %mul3A = arith.constant 2 : i32
    %mul3A_0 = arith.muli %arg1, %mul3A : i32
    %add3A = arith.addi %mul3A_0, %arg0 : i32
    %mul3A_1 = arith.constant 64 : i32
    %mul3A_2 = arith.muli %add3A, %mul3A_1 : i32
    %dma_start3A = arith.constant 0 : i32
    %dma_start3A_3 = tpu.memref_slice %arg3[%dma_start3A, %mul3A_2] : memref<1x2048xi32, #tpu.memory_space<hbm>> -> memref<1x64xi32, #tpu.memory_space<hbm>>
    %dma_start3A_4 = tpu.memref_squeeze %dma_start3A_3 : memref<1x64xi32, #tpu.memory_space<hbm>> -> memref<64xi32, #tpu.memory_space<hbm>>
    %dma_start3A_5 = tpu.memref_slice %arg3[%dma_start3A, %mul3A_2] : memref<1x2048xi32, #tpu.memory_space<hbm>> -> memref<1x64xi32, #tpu.memory_space<hbm>>
    %dma_start3A_6 = tpu.memref_squeeze %dma_start3A_5 : memref<1x64xi32, #tpu.memory_space<hbm>> -> memref<64xi32, #tpu.memory_space<hbm>>
    tpu.enqueue_dma source(%dma_start3A_6 : memref<64xi32, #tpu.memory_space<hbm>>) target(%arg7 : memref<64xi32, #tpu.memory_space<vmem>>) target_semaphore(%arg11 : memref<!tpu.dma_semaphore, #tpu.memory_space<semaphore_mem>>)
    %dma_start3A_7 = arith.constant 0 : i32
    %dma_start3A_8 = tpu.memref_slice %arg2[%mul3A_2, %dma_start3A_7] : memref<2048x768xf32, #tpu.memory_space<hbm>> -> memref<64x768xf32, #tpu.memory_space<hbm>>
    %dma_start3A_9 = arith.constant 0 : i32
    %dma_start3A_10 = tpu.memref_slice %arg2[%mul3A_2, %dma_start3A_9] : memref<2048x768xf32, #tpu.memory_space<hbm>> -> memref<64x768xf32, #tpu.memory_space<hbm>>
    tpu.enqueue_dma source(%dma_start3A_10 : memref<64x768xf32, #tpu.memory_space<hbm>>) target(%arg9 : memref<64x768xf32, #tpu.memory_space<vmem>>) target_semaphore(%arg12 : memref<!tpu.dma_semaphore, #tpu.memory_space<semaphore_mem>>)
    %dma_start3A_11 = arith.constant 0 : i32
    %dma_start3A_12 = tpu.memref_slice %arg4[%dma_start3A_11, %mul3A_2] : memref<1x2048xf32, #tpu.memory_space<hbm>> -> memref<1x64xf32, #tpu.memory_space<hbm>>
    %dma_start3A_13 = tpu.memref_squeeze %dma_start3A_12 : memref<1x64xf32, #tpu.memory_space<hbm>> -> memref<64xf32, #tpu.memory_space<hbm>>
    %dma_start3A_14 = tpu.memref_slice %arg4[%dma_start3A_11, %mul3A_2] : memref<1x2048xf32, #tpu.memory_space<hbm>> -> memref<1x64xf32, #tpu.memory_space<hbm>>
    %dma_start3A_15 = tpu.memref_squeeze %dma_start3A_14 : memref<1x64xf32, #tpu.memory_space<hbm>> -> memref<64xf32, #tpu.memory_space<hbm>>
    tpu.enqueue_dma source(%dma_start3A_15 : memref<64xf32, #tpu.memory_space<hbm>>) target(%arg8 : memref<64xf32, #tpu.memory_space<vmem>>) target_semaphore(%arg13 : memref<!tpu.dma_semaphore, #tpu.memory_space<semaphore_mem>>)
    %dma_wait3A = arith.constant 0 : i32
    %dma_wait3A_16 = tpu.memref_slice %arg3[%dma_wait3A, %mul3A_2] : memref<1x2048xi32, #tpu.memory_space<hbm>> -> memref<1x64xi32, #tpu.memory_space<hbm>>
    %dma_wait3A_17 = tpu.memref_squeeze %dma_wait3A_16 : memref<1x64xi32, #tpu.memory_space<hbm>> -> memref<64xi32, #tpu.memory_space<hbm>>
    %dma_wait3A_18 = tpu.memref_slice %arg3[%dma_wait3A, %mul3A_2] : memref<1x2048xi32, #tpu.memory_space<hbm>> -> memref<1x64xi32, #tpu.memory_space<hbm>>
    %dma_wait3A_19 = tpu.memref_squeeze %dma_wait3A_18 : memref<1x64xi32, #tpu.memory_space<hbm>> -> memref<64xi32, #tpu.memory_space<hbm>>
    tpu.wait_dma2 semaphore(%arg11 : memref<!tpu.dma_semaphore, #tpu.memory_space<semaphore_mem>>) src(%dma_wait3A_19 : memref<64xi32, #tpu.memory_space<hbm>>) dst(%arg7 : memref<64xi32, #tpu.memory_space<vmem>>)
    %dma_wait3A_20 = arith.constant 0 : i32
    %dma_wait3A_21 = tpu.memref_slice %arg2[%mul3A_2, %dma_wait3A_20] : memref<2048x768xf32, #tpu.memory_space<hbm>> -> memref<64x768xf32, #tpu.memory_space<hbm>>
    %dma_wait3A_22 = arith.constant 0 : i32
    %dma_wait3A_23 = tpu.memref_slice %arg2[%mul3A_2, %dma_wait3A_22] : memref<2048x768xf32, #tpu.memory_space<hbm>> -> memref<64x768xf32, #tpu.memory_space<hbm>>
    tpu.wait_dma2 semaphore(%arg12 : memref<!tpu.dma_semaphore, #tpu.memory_space<semaphore_mem>>) src(%dma_wait3A_23 : memref<64x768xf32, #tpu.memory_space<hbm>>) dst(%arg9 : memref<64x768xf32, #tpu.memory_space<vmem>>)
    %dma_start3A_24 = arith.constant 0 : i32
    %dma_start3A_25 = arith.constant 0 : i32
    %dma_start3A_26 = tpu.memref_slice %arg5[%dma_start3A_24, %dma_start3A_25] : memref<4096x768xf32, #tpu.memory_space<hbm>> -> memref<4096x768xf32, #tpu.memory_space<hbm>>
    tpu.enqueue_indirect_dma source(%arg9 : memref<64x768xf32, #tpu.memory_space<vmem>>) target(%dma_start3A_26 : memref<4096x768xf32, #tpu.memory_space<hbm>>) offsets(%arg7 : memref<64xi32, #tpu.memory_space<vmem>>) semaphore(%arg12 : memref<!tpu.dma_semaphore, #tpu.memory_space<semaphore_mem>>)
    %dma_wait3A_27 = arith.constant 0 : i32
    %dma_wait3A_28 = tpu.memref_slice %arg4[%dma_wait3A_27, %mul3A_2] : memref<1x2048xf32, #tpu.memory_space<hbm>> -> memref<1x64xf32, #tpu.memory_space<hbm>>
    %dma_wait3A_29 = tpu.memref_squeeze %dma_wait3A_28 : memref<1x64xf32, #tpu.memory_space<hbm>> -> memref<64xf32, #tpu.memory_space<hbm>>
    %dma_wait3A_30 = tpu.memref_slice %arg4[%dma_wait3A_27, %mul3A_2] : memref<1x2048xf32, #tpu.memory_space<hbm>> -> memref<1x64xf32, #tpu.memory_space<hbm>>
    %dma_wait3A_31 = tpu.memref_squeeze %dma_wait3A_30 : memref<1x64xf32, #tpu.memory_space<hbm>> -> memref<64xf32, #tpu.memory_space<hbm>>
    tpu.wait_dma2 semaphore(%arg13 : memref<!tpu.dma_semaphore, #tpu.memory_space<semaphore_mem>>) src(%dma_wait3A_31 : memref<64xf32, #tpu.memory_space<hbm>>) dst(%arg8 : memref<64xf32, #tpu.memory_space<vmem>>)
    %scan3A = arith.constant 0 : i32
    %scan3A_32 = arith.constant 0 : i32
    %scan3A_33 = arith.constant 4 : i32
    %scan3A_34 = arith.addi %scan3A_32, %scan3A_33 : i32
    %scan3A_35 = arith.constant 1 : i32
    scf.for %scan3A_46 = %scan3A_32 to %scan3A_34 step %scan3A_35  : i32 {
      %mul3A_47 = arith.constant 16 : i32
      %mul3A_48 = arith.muli %scan3A_46, %mul3A_47 : i32
      %get3A = arith.index_cast %mul3A_48 : i32 to index
      %get3A_49 = tpu.vector_load %arg8[%get3A] {strides = array<i32>} : memref<64xf32, #tpu.memory_space<vmem>>, vector<16xf32>,
      %slice3A = vector.extract_strided_slice %get3A_49 {offsets = [0], sizes = [1], strides = [1]} : vector<16xf32> to vector<1xf32>
      %squeeze3A = vector.extract %slice3A[0] : f32 from vector<1xf32>
      %broadcast_in_dim3A = vector.broadcast %squeeze3A : f32 to vector<16xf32>
      %mul3A_50 = arith.constant 16 : i32
      %mul3A_51 = arith.muli %scan3A_46, %mul3A_50 : i32
      %add3A_52 = arith.constant 0 : i32
      %add3A_53 = arith.addi %mul3A_51, %add3A_52 : i32
      %swap3A = arith.index_cast %add3A_53 : i32 to index
      %swap3A_54 = arith.constant 0 : index
      %swap3A_55 = tpu.vector_load %arg10[%swap3A, %swap3A_54] {strides = array<i32>} : memref<64x128xf32, #tpu.memory_space<vmem>>, vector<16xf32>,
      tpu.vector_store %arg10[%swap3A, %swap3A_54], %broadcast_in_dim3A {strides = array<i32>} : memref<64x128xf32, #tpu.memory_space<vmem>>, vector<16xf32>,
      %slice3A_56 = vector.extract_strided_slice %get3A_49 {offsets = [1], sizes = [1], strides = [1]} : vector<16xf32> to vector<1xf32>
      %squeeze3A_57 = vector.extract %slice3A_56[0] : f32 from vector<1xf32>
      %broadcast_in_dim3A_58 = vector.broadcast %squeeze3A_57 : f32 to vector<16xf32>
      %mul3A_59 = arith.constant 16 : i32
      %mul3A_60 = arith.muli %scan3A_46, %mul3A_59 : i32
      %add3A_61 = arith.constant 1 : i32
      %add3A_62 = arith.addi %mul3A_60, %add3A_61 : i32
      %swap3A_63 = arith.index_cast %add3A_62 : i32 to index
      %swap3A_64 = arith.constant 0 : index
      %swap3A_65 = tpu.vector_load %arg10[%swap3A_63, %swap3A_64] {strides = array<i32>} : memref<64x128xf32, #tpu.memory_space<vmem>>, vector<16xf32>,
      tpu.vector_store %arg10[%swap3A_63, %swap3A_64], %broadcast_in_dim3A_58 {strides = array<i32>} : memref<64x128xf32, #tpu.memory_space<vmem>>, vector<16xf32>,
      %slice3A_66 = vector.extract_strided_slice %get3A_49 {offsets = [2], sizes = [1], strides = [1]} : vector<16xf32> to vector<1xf32>
      %squeeze3A_67 = vector.extract %slice3A_66[0] : f32 from vector<1xf32>
      %broadcast_in_dim3A_68 = vector.broadcast %squeeze3A_67 : f32 to vector<16xf32>
      %mul3A_69 = arith.constant 16 : i32
      %mul3A_70 = arith.muli %scan3A_46, %mul3A_69 : i32
      %add3A_71 = arith.constant 2 : i32
      %add3A_72 = arith.addi %mul3A_70, %add3A_71 : i32
      %swap3A_73 = arith.index_cast %add3A_72 : i32 to index
      %swap3A_74 = arith.constant 0 : index
      %swap3A_75 = tpu.vector_load %arg10[%swap3A_73, %swap3A_74] {strides = array<i32>} : memref<64x128xf32, #tpu.memory_space<vmem>>, vector<16xf32>,
      tpu.vector_store %arg10[%swap3A_73, %swap3A_74], %broadcast_in_dim3A_68 {strides = array<i32>} : memref<64x128xf32, #tpu.memory_space<vmem>>, vector<16xf32>,
      %slice3A_76 = vector.extract_strided_slice %get3A_49 {offsets = [3], sizes = [1], strides = [1]} : vector<16xf32> to vector<1xf32>
      %squeeze3A_77 = vector.extract %slice3A_76[0] : f32 from vector<1xf32>
      %broadcast_in_dim3A_78 = vector.broadcast %squeeze3A_77 : f32 to vector<16xf32>
      %mul3A_79 = arith.constant 16 : i32
      %mul3A_80 = arith.muli %scan3A_46, %mul3A_79 : i32
      %add3A_81 = arith.constant 3 : i32
      %add3A_82 = arith.addi %mul3A_80, %add3A_81 : i32
      %swap3A_83 = arith.index_cast %add3A_82 : i32 to index
      %swap3A_84 = arith.constant 0 : index
      %swap3A_85 = tpu.vector_load %arg10[%swap3A_83, %swap3A_84] {strides = array<i32>} : memref<64x128xf32, #tpu.memory_space<vmem>>, vector<16xf32>,
      tpu.vector_store %arg10[%swap3A_83, %swap3A_84], %broadcast_in_dim3A_78 {strides = array<i32>} : memref<64x128xf32, #tpu.memory_space<vmem>>, vector<16xf32>,
      %slice3A_86 = vector.extract_strided_slice %get3A_49 {offsets = [4], sizes = [1], strides = [1]} : vector<16xf32> to vector<1xf32>
      %squeeze3A_87 = vector.extract %slice3A_86[0] : f32 from vector<1xf32>
      %broadcast_in_dim3A_88 = vector.broadcast %squeeze3A_87 : f32 to vector<16xf32>
      %mul3A_89 = arith.constant 16 : i32
      %mul3A_90 = arith.muli %scan3A_46, %mul3A_89 : i32
      %add3A_91 = arith.constant 4 : i32
      %add3A_92 = arith.addi %mul3A_90, %add3A_91 : i32
      %swap3A_93 = arith.index_cast %add3A_92 : i32 to index
      %swap3A_94 = arith.constant 0 : index
      %swap3A_95 = tpu.vector_load %arg10[%swap3A_93, %swap3A_94] {strides = array<i32>} : memref<64x128xf32, #tpu.memory_space<vmem>>, vector<16xf32>,
      tpu.vector_store %arg10[%swap3A_93, %swap3A_94], %broadcast_in_dim3A_88 {strides = array<i32>} : memref<64x128xf32, #tpu.memory_space<vmem>>, vector<16xf32>,
      %slice3A_96 = vector.extract_strided_slice %get3A_49 {offsets = [5], sizes = [1], strides = [1]} : vector<16xf32> to vector<1xf32>
      %squeeze3A_97 = vector.extract %slice3A_96[0] : f32 from vector<1xf32>
      %broadcast_in_dim3A_98 = vector.broadcast %squeeze3A_97 : f32 to vector<16xf32>
      %mul3A_99 = arith.constant 16 : i32
      %mul3A_100 = arith.muli %scan3A_46, %mul3A_99 : i32
      %add3A_101 = arith.constant 5 : i32
      %add3A_102 = arith.addi %mul3A_100, %add3A_101 : i32
      %swap3A_103 = arith.index_cast %add3A_102 : i32 to index
      %swap3A_104 = arith.constant 0 : index
      %swap3A_105 = tpu.vector_load %arg10[%swap3A_103, %swap3A_104] {strides = array<i32>} : memref<64x128xf32, #tpu.memory_space<vmem>>, vector<16xf32>,
      tpu.vector_store %arg10[%swap3A_103, %swap3A_104], %broadcast_in_dim3A_98 {strides = array<i32>} : memref<64x128xf32, #tpu.memory_space<vmem>>, vector<16xf32>,
      %slice3A_106 = vector.extract_strided_slice %get3A_49 {offsets = [6], sizes = [1], strides = [1]} : vector<16xf32> to vector<1xf32>
      %squeeze3A_107 = vector.extract %slice3A_106[0] : f32 from vector<1xf32>
      %broadcast_in_dim3A_108 = vector.broadcast %squeeze3A_107 : f32 to vector<16xf32>
      %mul3A_109 = arith.constant 16 : i32
      %mul3A_110 = arith.muli %scan3A_46, %mul3A_109 : i32
      %add3A_111 = arith.constant 6 : i32
      %add3A_112 = arith.addi %mul3A_110, %add3A_111 : i32
      %swap3A_113 = arith.index_cast %add3A_112 : i32 to index
      %swap3A_114 = arith.constant 0 : index
      %swap3A_115 = tpu.vector_load %arg10[%swap3A_113, %swap3A_114] {strides = array<i32>} : memref<64x128xf32, #tpu.memory_space<vmem>>, vector<16xf32>,
      tpu.vector_store %arg10[%swap3A_113, %swap3A_114], %broadcast_in_dim3A_108 {strides = array<i32>} : memref<64x128xf32, #tpu.memory_space<vmem>>, vector<16xf32>,
      %slice3A_116 = vector.extract_strided_slice %get3A_49 {offsets = [7], sizes = [1], strides = [1]} : vector<16xf32> to vector<1xf32>
      %squeeze3A_117 = vector.extract %slice3A_116[0] : f32 from vector<1xf32>
      %broadcast_in_dim3A_118 = vector.broadcast %squeeze3A_117 : f32 to vector<16xf32>
      %mul3A_119 = arith.constant 16 : i32
      %mul3A_120 = arith.muli %scan3A_46, %mul3A_119 : i32
      %add3A_121 = arith.constant 7 : i32
      %add3A_122 = arith.addi %mul3A_120, %add3A_121 : i32
      %swap3A_123 = arith.index_cast %add3A_122 : i32 to index
      %swap3A_124 = arith.constant 0 : index
      %swap3A_125 = tpu.vector_load %arg10[%swap3A_123, %swap3A_124] {strides = array<i32>} : memref<64x128xf32, #tpu.memory_space<vmem>>, vector<16xf32>,
      tpu.vector_store %arg10[%swap3A_123, %swap3A_124], %broadcast_in_dim3A_118 {strides = array<i32>} : memref<64x128xf32, #tpu.memory_space<vmem>>, vector<16xf32>,
      %slice3A_126 = vector.extract_strided_slice %get3A_49 {offsets = [8], sizes = [1], strides = [1]} : vector<16xf32> to vector<1xf32>
      %squeeze3A_127 = vector.extract %slice3A_126[0] : f32 from vector<1xf32>
      %broadcast_in_dim3A_128 = vector.broadcast %squeeze3A_127 : f32 to vector<16xf32>
      %mul3A_129 = arith.constant 16 : i32
      %mul3A_130 = arith.muli %scan3A_46, %mul3A_129 : i32
      %add3A_131 = arith.constant 8 : i32
      %add3A_132 = arith.addi %mul3A_130, %add3A_131 : i32
      %swap3A_133 = arith.index_cast %add3A_132 : i32 to index
      %swap3A_134 = arith.constant 0 : index
      %swap3A_135 = tpu.vector_load %arg10[%swap3A_133, %swap3A_134] {strides = array<i32>} : memref<64x128xf32, #tpu.memory_space<vmem>>, vector<16xf32>,
      tpu.vector_store %arg10[%swap3A_133, %swap3A_134], %broadcast_in_dim3A_128 {strides = array<i32>} : memref<64x128xf32, #tpu.memory_space<vmem>>, vector<16xf32>,
      %slice3A_136 = vector.extract_strided_slice %get3A_49 {offsets = [9], sizes = [1], strides = [1]} : vector<16xf32> to vector<1xf32>
      %squeeze3A_137 = vector.extract %slice3A_136[0] : f32 from vector<1xf32>
      %broadcast_in_dim3A_138 = vector.broadcast %squeeze3A_137 : f32 to vector<16xf32>
      %mul3A_139 = arith.constant 16 : i32
      %mul3A_140 = arith.muli %scan3A_46, %mul3A_139 : i32
      %add3A_141 = arith.constant 9 : i32
      %add3A_142 = arith.addi %mul3A_140, %add3A_141 : i32
      %swap3A_143 = arith.index_cast %add3A_142 : i32 to index
      %swap3A_144 = arith.constant 0 : index
      %swap3A_145 = tpu.vector_load %arg10[%swap3A_143, %swap3A_144] {strides = array<i32>} : memref<64x128xf32, #tpu.memory_space<vmem>>, vector<16xf32>,
      tpu.vector_store %arg10[%swap3A_143, %swap3A_144], %broadcast_in_dim3A_138 {strides = array<i32>} : memref<64x128xf32, #tpu.memory_space<vmem>>, vector<16xf32>,
      %slice3A_146 = vector.extract_strided_slice %get3A_49 {offsets = [10], sizes = [1], strides = [1]} : vector<16xf32> to vector<1xf32>
      %squeeze3A_147 = vector.extract %slice3A_146[0] : f32 from vector<1xf32>
      %broadcast_in_dim3A_148 = vector.broadcast %squeeze3A_147 : f32 to vector<16xf32>
      %mul3A_149 = arith.constant 16 : i32
      %mul3A_150 = arith.muli %scan3A_46, %mul3A_149 : i32
      %add3A_151 = arith.constant 10 : i32
      %add3A_152 = arith.addi %mul3A_150, %add3A_151 : i32
      %swap3A_153 = arith.index_cast %add3A_152 : i32 to index
      %swap3A_154 = arith.constant 0 : index
      %swap3A_155 = tpu.vector_load %arg10[%swap3A_153, %swap3A_154] {strides = array<i32>} : memref<64x128xf32, #tpu.memory_space<vmem>>, vector<16xf32>,
      tpu.vector_store %arg10[%swap3A_153, %swap3A_154], %broadcast_in_dim3A_148 {strides = array<i32>} : memref<64x128xf32, #tpu.memory_space<vmem>>, vector<16xf32>,
      %slice3A_156 = vector.extract_strided_slice %get3A_49 {offsets = [11], sizes = [1], strides = [1]} : vector<16xf32> to vector<1xf32>
      %squeeze3A_157 = vector.extract %slice3A_156[0] : f32 from vector<1xf32>
      %broadcast_in_dim3A_158 = vector.broadcast %squeeze3A_157 : f32 to vector<16xf32>
      %mul3A_159 = arith.constant 16 : i32
      %mul3A_160 = arith.muli %scan3A_46, %mul3A_159 : i32
      %add3A_161 = arith.constant 11 : i32
      %add3A_162 = arith.addi %mul3A_160, %add3A_161 : i32
      %swap3A_163 = arith.index_cast %add3A_162 : i32 to index
      %swap3A_164 = arith.constant 0 : index
      %swap3A_165 = tpu.vector_load %arg10[%swap3A_163, %swap3A_164] {strides = array<i32>} : memref<64x128xf32, #tpu.memory_space<vmem>>, vector<16xf32>,
      tpu.vector_store %arg10[%swap3A_163, %swap3A_164], %broadcast_in_dim3A_158 {strides = array<i32>} : memref<64x128xf32, #tpu.memory_space<vmem>>, vector<16xf32>,
      %slice3A_166 = vector.extract_strided_slice %get3A_49 {offsets = [12], sizes = [1], strides = [1]} : vector<16xf32> to vector<1xf32>
      %squeeze3A_167 = vector.extract %slice3A_166[0] : f32 from vector<1xf32>
      %broadcast_in_dim3A_168 = vector.broadcast %squeeze3A_167 : f32 to vector<16xf32>
      %mul3A_169 = arith.constant 16 : i32
      %mul3A_170 = arith.muli %scan3A_46, %mul3A_169 : i32
      %add3A_171 = arith.constant 12 : i32
      %add3A_172 = arith.addi %mul3A_170, %add3A_171 : i32
      %swap3A_173 = arith.index_cast %add3A_172 : i32 to index
      %swap3A_174 = arith.constant 0 : index
      %swap3A_175 = tpu.vector_load %arg10[%swap3A_173, %swap3A_174] {strides = array<i32>} : memref<64x128xf32, #tpu.memory_space<vmem>>, vector<16xf32>,
      tpu.vector_store %arg10[%swap3A_173, %swap3A_174], %broadcast_in_dim3A_168 {strides = array<i32>} : memref<64x128xf32, #tpu.memory_space<vmem>>, vector<16xf32>,
      %slice3A_176 = vector.extract_strided_slice %get3A_49 {offsets = [13], sizes = [1], strides = [1]} : vector<16xf32> to vector<1xf32>
      %squeeze3A_177 = vector.extract %slice3A_176[0] : f32 from vector<1xf32>
      %broadcast_in_dim3A_178 = vector.broadcast %squeeze3A_177 : f32 to vector<16xf32>
      %mul3A_179 = arith.constant 16 : i32
      %mul3A_180 = arith.muli %scan3A_46, %mul3A_179 : i32
      %add3A_181 = arith.constant 13 : i32
      %add3A_182 = arith.addi %mul3A_180, %add3A_181 : i32
      %swap3A_183 = arith.index_cast %add3A_182 : i32 to index
      %swap3A_184 = arith.constant 0 : index
      %swap3A_185 = tpu.vector_load %arg10[%swap3A_183, %swap3A_184] {strides = array<i32>} : memref<64x128xf32, #tpu.memory_space<vmem>>, vector<16xf32>,
      tpu.vector_store %arg10[%swap3A_183, %swap3A_184], %broadcast_in_dim3A_178 {strides = array<i32>} : memref<64x128xf32, #tpu.memory_space<vmem>>, vector<16xf32>,
      %slice3A_186 = vector.extract_strided_slice %get3A_49 {offsets = [14], sizes = [1], strides = [1]} : vector<16xf32> to vector<1xf32>
      %squeeze3A_187 = vector.extract %slice3A_186[0] : f32 from vector<1xf32>
      %broadcast_in_dim3A_188 = vector.broadcast %squeeze3A_187 : f32 to vector<16xf32>
      %mul3A_189 = arith.constant 16 : i32
      %mul3A_190 = arith.muli %scan3A_46, %mul3A_189 : i32
      %add3A_191 = arith.constant 14 : i32
      %add3A_192 = arith.addi %mul3A_190, %add3A_191 : i32
      %swap3A_193 = arith.index_cast %add3A_192 : i32 to index
      %swap3A_194 = arith.constant 0 : index
      %swap3A_195 = tpu.vector_load %arg10[%swap3A_193, %swap3A_194] {strides = array<i32>} : memref<64x128xf32, #tpu.memory_space<vmem>>, vector<16xf32>,
      tpu.vector_store %arg10[%swap3A_193, %swap3A_194], %broadcast_in_dim3A_188 {strides = array<i32>} : memref<64x128xf32, #tpu.memory_space<vmem>>, vector<16xf32>,
      %slice3A_196 = vector.extract_strided_slice %get3A_49 {offsets = [15], sizes = [1], strides = [1]} : vector<16xf32> to vector<1xf32>
      %squeeze3A_197 = vector.extract %slice3A_196[0] : f32 from vector<1xf32>
      %broadcast_in_dim3A_198 = vector.broadcast %squeeze3A_197 : f32 to vector<16xf32>
      %mul3A_199 = arith.constant 16 : i32
      %mul3A_200 = arith.muli %scan3A_46, %mul3A_199 : i32
      %add3A_201 = arith.constant 15 : i32
      %add3A_202 = arith.addi %mul3A_200, %add3A_201 : i32
      %swap3A_203 = arith.index_cast %add3A_202 : i32 to index
      %swap3A_204 = arith.constant 0 : index
      %swap3A_205 = tpu.vector_load %arg10[%swap3A_203, %swap3A_204] {strides = array<i32>} : memref<64x128xf32, #tpu.memory_space<vmem>>, vector<16xf32>,
      tpu.vector_store %arg10[%swap3A_203, %swap3A_204], %broadcast_in_dim3A_198 {strides = array<i32>} : memref<64x128xf32, #tpu.memory_space<vmem>>, vector<16xf32>,
    }
    %scan3A_36 = arith.constant 4 : i32
    %dma_start3A_37 = arith.constant 0 : i32
    %dma_start3A_38 = arith.constant 0 : i32
    %dma_start3A_39 = tpu.memref_slice %arg6[%dma_start3A_37, %dma_start3A_38] : memref<4096x128xf32, #tpu.memory_space<hbm>> -> memref<4096x128xf32, #tpu.memory_space<hbm>>
    tpu.enqueue_indirect_dma source(%arg10 : memref<64x128xf32, #tpu.memory_space<vmem>>) target(%dma_start3A_39 : memref<4096x128xf32, #tpu.memory_space<hbm>>) offsets(%arg7 : memref<64xi32, #tpu.memory_space<vmem>>) semaphore(%arg13 : memref<!tpu.dma_semaphore, #tpu.memory_space<semaphore_mem>>)
    %dma_wait3A_40 = arith.constant 0 : i32
    %dma_wait3A_41 = arith.constant 0 : i32
    %dma_wait3A_42 = tpu.memref_slice %arg6[%dma_wait3A_40, %dma_wait3A_41] : memref<4096x128xf32, #tpu.memory_space<hbm>> -> memref<4096x128xf32, #tpu.memory_space<hbm>>
    tpu.wait_indirect_dma semaphore(%arg13 : memref<!tpu.dma_semaphore, #tpu.memory_space<semaphore_mem>>) src(%arg10 : memref<64x128xf32, #tpu.memory_space<vmem>>) dst(%dma_wait3A_42 : memref<4096x128xf32, #tpu.memory_space<hbm>>)
    %dma_wait3A_43 = arith.constant 0 : i32
    %dma_wait3A_44 = arith.constant 0 : i32
    %dma_wait3A_45 = tpu.memref_slice %arg5[%dma_wait3A_43, %dma_wait3A_44] : memref<4096x768xf32, #tpu.memory_space<hbm>> -> memref<4096x768xf32, #tpu.memory_space<hbm>>
    tpu.wait_indirect_dma semaphore(%arg12 : memref<!tpu.dma_semaphore, #tpu.memory_space<semaphore_mem>>) src(%arg9 : memref<64x768xf32, #tpu.memory_space<vmem>>) dst(%dma_wait3A_45 : memref<4096x768xf32, #tpu.memory_space<hbm>>)
    return
  }
}

#map = affine_map<(d0, d1) -> (0, 0)>
module attributes {stable_mosaic.version = 14 : i64} {
  func.func @_sc_gather(%arg0: i32, %arg1: i32, %arg2: memref<4096x768xf32, #tpu.memory_space<hbm>>, %arg3: memref<1x2048xi32, #tpu.memory_space<hbm>>, %arg4: memref<2048x768xf32, #tpu.memory_space<hbm>>, %arg5: memref<64xi32, #tpu.memory_space<vmem>>, %arg6: memref<64x768xf32, #tpu.memory_space<vmem>>, %arg7: memref<!tpu.dma_semaphore, #tpu.memory_space<semaphore_mem>>) attributes {dimension_semantics = [#tpu.dimension_semantics<core_parallel>, #tpu.dimension_semantics<subcore_parallel>], iteration_bounds = array<i64: 2, 16>, scalar_prefetch = 0 : i64, scratch_operands = 3 : i64, tpu.core_type = #tpu.core_type<sc_vector_subcore>, window_params = [{transform_indices = #map}, {transform_indices = #map}, {transform_indices = #map}]} {
    %mul3A = arith.constant 2 : i32
    %mul3A_0 = arith.muli %arg1, %mul3A : i32
    %add3A = arith.addi %mul3A_0, %arg0 : i32
    %mul3A_1 = arith.constant 64 : i32
    %mul3A_2 = arith.muli %add3A, %mul3A_1 : i32
    %run_scoped3A = arith.constant 0 : i32
    "tpu.region"() ({
      %run_scoped3A_9 = tpu.sem_alloc : memref<!tpu.dma_semaphore, #tpu.memory_space<semaphore_mem>>
      %dma_start3A_10 = tpu.memref_slice %arg3[%run_scoped3A, %mul3A_2] : memref<1x2048xi32, #tpu.memory_space<hbm>> -> memref<1x64xi32, #tpu.memory_space<hbm>>
      %dma_start3A_11 = tpu.memref_squeeze %dma_start3A_10 : memref<1x64xi32, #tpu.memory_space<hbm>> -> memref<64xi32, #tpu.memory_space<hbm>>
      %dma_start3A_12 = tpu.memref_slice %arg3[%run_scoped3A, %mul3A_2] : memref<1x2048xi32, #tpu.memory_space<hbm>> -> memref<1x64xi32, #tpu.memory_space<hbm>>
      %dma_start3A_13 = tpu.memref_squeeze %dma_start3A_12 : memref<1x64xi32, #tpu.memory_space<hbm>> -> memref<64xi32, #tpu.memory_space<hbm>>
      tpu.enqueue_dma source(%dma_start3A_13 : memref<64xi32, #tpu.memory_space<hbm>>) target(%arg5 : memref<64xi32, #tpu.memory_space<vmem>>) target_semaphore(%run_scoped3A_9 : memref<!tpu.dma_semaphore, #tpu.memory_space<semaphore_mem>>)
      %dma_wait3A_14 = tpu.memref_slice %arg3[%run_scoped3A, %mul3A_2] : memref<1x2048xi32, #tpu.memory_space<hbm>> -> memref<1x64xi32, #tpu.memory_space<hbm>>
      %dma_wait3A_15 = tpu.memref_squeeze %dma_wait3A_14 : memref<1x64xi32, #tpu.memory_space<hbm>> -> memref<64xi32, #tpu.memory_space<hbm>>
      %dma_wait3A_16 = tpu.memref_slice %arg3[%run_scoped3A, %mul3A_2] : memref<1x2048xi32, #tpu.memory_space<hbm>> -> memref<1x64xi32, #tpu.memory_space<hbm>>
      %dma_wait3A_17 = tpu.memref_squeeze %dma_wait3A_16 : memref<1x64xi32, #tpu.memory_space<hbm>> -> memref<64xi32, #tpu.memory_space<hbm>>
      tpu.wait_dma2 semaphore(%run_scoped3A_9 : memref<!tpu.dma_semaphore, #tpu.memory_space<semaphore_mem>>) src(%dma_wait3A_17 : memref<64xi32, #tpu.memory_space<hbm>>) dst(%arg5 : memref<64xi32, #tpu.memory_space<vmem>>)
      tpu.yield
    }) : () -> ()
    %dma_start3A = arith.constant 0 : i32
    %dma_start3A_3 = arith.constant 0 : i32
    %dma_start3A_4 = tpu.memref_slice %arg2[%dma_start3A, %dma_start3A_3] : memref<4096x768xf32, #tpu.memory_space<hbm>> -> memref<4096x768xf32, #tpu.memory_space<hbm>>
    tpu.enqueue_indirect_dma source(%dma_start3A_4 : memref<4096x768xf32, #tpu.memory_space<hbm>>) target(%arg6 : memref<64x768xf32, #tpu.memory_space<vmem>>) offsets(%arg5 : memref<64xi32, #tpu.memory_space<vmem>>) semaphore(%arg7 : memref<!tpu.dma_semaphore, #tpu.memory_space<semaphore_mem>>)
    %dma_wait3A = arith.constant 0 : i32
    %dma_wait3A_5 = arith.constant 0 : i32
    %dma_wait3A_6 = tpu.memref_slice %arg2[%dma_wait3A, %dma_wait3A_5] : memref<4096x768xf32, #tpu.memory_space<hbm>> -> memref<4096x768xf32, #tpu.memory_space<hbm>>
    tpu.wait_indirect_dma semaphore(%arg7 : memref<!tpu.dma_semaphore, #tpu.memory_space<semaphore_mem>>) src(%dma_wait3A_6 : memref<4096x768xf32, #tpu.memory_space<hbm>>) dst(%arg6 : memref<64x768xf32, #tpu.memory_space<vmem>>)
    %mul3A_7 = arith.constant 64 : i32
    %mul3A_8 = arith.muli %add3A, %mul3A_7 : i32
    "tpu.region"() ({
      %run_scoped3A_9 = tpu.sem_alloc : memref<!tpu.dma_semaphore, #tpu.memory_space<semaphore_mem>>
      %dma_start3A_10 = arith.constant 0 : i32
      %dma_start3A_11 = tpu.memref_slice %arg4[%mul3A_8, %dma_start3A_10] : memref<2048x768xf32, #tpu.memory_space<hbm>> -> memref<64x768xf32, #tpu.memory_space<hbm>>
      %dma_start3A_12 = arith.constant 0 : i32
      %dma_start3A_13 = tpu.memref_slice %arg4[%mul3A_8, %dma_start3A_12] : memref<2048x768xf32, #tpu.memory_space<hbm>> -> memref<64x768xf32, #tpu.memory_space<hbm>>
      tpu.enqueue_dma source(%arg6 : memref<64x768xf32, #tpu.memory_space<vmem>>) target(%dma_start3A_13 : memref<64x768xf32, #tpu.memory_space<hbm>>) target_semaphore(%run_scoped3A_9 : memref<!tpu.dma_semaphore, #tpu.memory_space<semaphore_mem>>)
      %dma_wait3A_14 = arith.constant 0 : i32
      %dma_wait3A_15 = tpu.memref_slice %arg4[%mul3A_8, %dma_wait3A_14] : memref<2048x768xf32, #tpu.memory_space<hbm>> -> memref<64x768xf32, #tpu.memory_space<hbm>>
      %dma_wait3A_16 = arith.constant 0 : i32
      %dma_wait3A_17 = tpu.memref_slice %arg4[%mul3A_8, %dma_wait3A_16] : memref<2048x768xf32, #tpu.memory_space<hbm>> -> memref<64x768xf32, #tpu.memory_space<hbm>>
      tpu.wait_dma2 semaphore(%run_scoped3A_9 : memref<!tpu.dma_semaphore, #tpu.memory_space<semaphore_mem>>) src(%arg6 : memref<64x768xf32, #tpu.memory_space<vmem>>) dst(%dma_wait3A_17 : memref<64x768xf32, #tpu.memory_space<hbm>>)
      tpu.yield
    }) : () -> ()
    return
  }
}

module attributes {stable_mosaic.version = 14 : i64} {
  func.func @_route_body(%arg0: memref<2048x768xf32, #tpu.memory_space<vmem>>, %arg1: memref<768x16xf32, #tpu.memory_space<vmem>>, %arg2: memref<16x1xf32, #tpu.memory_space<vmem>>, %arg3: memref<1x2048xi32, #tpu.memory_space<vmem>>, %arg4: memref<1x2048xf32, #tpu.memory_space<vmem>>, %arg5: memref<1x32xi32, #tpu.memory_space<vmem>>, %arg6: memref<1x32xi32, #tpu.memory_space<vmem>>) attributes {dimension_semantics = [], scalar_prefetch = 0 : i64, scratch_operands = 0 : i64, tpu.core_type = #tpu.core_type<tc>} {
    %get3A = arith.constant 0 : index
    %get3A_0 = arith.constant 0 : index
    %get3A_1 = vector.load %arg0[%get3A, %get3A_0] : memref<2048x768xf32, #tpu.memory_space<vmem>>, vector<2048x768xf32>
    %get3A_2 = arith.constant 0 : index
    %get3A_3 = arith.constant 0 : index
    %get3A_4 = vector.load %arg1[%get3A_2, %get3A_3] : memref<768x16xf32, #tpu.memory_space<vmem>>, vector<768x16xf32>
    %get3A_5 = arith.constant 0 : index
    %get3A_6 = arith.constant 0 : index
    %get3A_7 = vector.load %arg2[%get3A_5, %get3A_6] : memref<16x1xf32, #tpu.memory_space<vmem>>, vector<16x1xf32>
    %dot_general3A = arith.constant dense<0.000000e+00> : vector<16x2048xf32>
    %dot_general3A_8 = tpu.matmul %get3A_4, %get3A_1, %dot_general3A {dimension_numbers = #tpu.dot_dimension_numbers<[0], [1], [1], [0], [0, 1, 1, 0], [], []>, transpose_lhs_hint = false} : vector<768x16xf32>, vector<2048x768xf32>, vector<16x2048xf32> -> vector<16x2048xf32>
    %add3A = vector.broadcast %get3A_7 : vector<16x1xf32> to vector<16x2048xf32>
    %add3A_9 = arith.addf %dot_general3A_8, %add3A : vector<16x2048xf32>
    %reduce_max3A = arith.constant dense<0xFF800000> : vector<2048xf32>
    %reduce_max3A_10 = vector.multi_reduction <maximumf>, %add3A_9, %reduce_max3A [0] : vector<16x2048xf32> to vector<2048xf32>
    %broadcast_in_dim3A = vector.shape_cast %reduce_max3A_10 : vector<2048xf32> to vector<1x2048xf32>
    %sub3A = vector.broadcast %broadcast_in_dim3A : vector<1x2048xf32> to vector<16x2048xf32>
    %sub3A_11 = arith.subf %add3A_9, %sub3A : vector<16x2048xf32>
    %exp3A = math.exp %sub3A_11 : vector<16x2048xf32>
    %reduce_sum3A = arith.constant dense<0.000000e+00> : vector<2048xf32>
    %reduce_sum3A_12 = vector.multi_reduction <add>, %exp3A, %reduce_sum3A [0] : vector<16x2048xf32> to vector<2048xf32>
    %broadcast_in_dim3A_13 = vector.shape_cast %reduce_sum3A_12 : vector<2048xf32> to vector<1x2048xf32>
    %div3A = vector.broadcast %broadcast_in_dim3A_13 : vector<1x2048xf32> to vector<16x2048xf32>
    %div3A_14 = arith.divf %exp3A, %div3A : vector<16x2048xf32>
    %reduce_max3A_15 = arith.constant dense<0xFF800000> : vector<2048xf32>
    %reduce_max3A_16 = vector.multi_reduction <maximumf>, %div3A_14, %reduce_max3A_15 [0] : vector<16x2048xf32> to vector<2048xf32>
    %broadcast_in_dim3A_17 = vector.shape_cast %reduce_max3A_16 : vector<2048xf32> to vector<1x2048xf32>
    %iota3A = tpu.iota {dimensions = array<i32: 0>} : vector<16x2048xi32>
    %eq3A = vector.broadcast %broadcast_in_dim3A_17 : vector<1x2048xf32> to vector<16x2048xf32>
    %eq3A_18 = arith.cmpf oeq, %div3A_14, %eq3A : vector<16x2048xf32>
    %jit3A = arith.constant 16 : i32
    %broadcast_in_dim3A_19 = vector.broadcast %jit3A : i32 to vector<16x2048xi32>
    %select_n3A = arith.select %eq3A_18, %iota3A, %broadcast_in_dim3A_19 : vector<16x2048xi1>, vector<16x2048xi32>
    %reduce_min3A = arith.constant dense<2147483647> : vector<2048xi32>
    %reduce_min3A_20 = vector.multi_reduction <minsi>, %select_n3A, %reduce_min3A [0] : vector<16x2048xi32> to vector<2048xi32>
    %broadcast_in_dim3A_21 = vector.shape_cast %reduce_min3A_20 : vector<2048xi32> to vector<1x2048xi32>
    %eq3A_22 = vector.broadcast %broadcast_in_dim3A_21 : vector<1x2048xi32> to vector<16x2048xi32>
    %eq3A_23 = arith.cmpi eq, %iota3A, %eq3A_22 : vector<16x2048xi32>
    %convert_element_type3A = arith.extui %eq3A_23 : vector<16x2048xi1> to vector<16x2048xi32>
    %convert_element_type3A_24 = arith.sitofp %convert_element_type3A : vector<16x2048xi32> to vector<16x2048xf32>
    %iota3A_25 = tpu.iota {dimensions = array<i32: 0>} : vector<128x128xi32>
    %iota3A_26 = tpu.iota {dimensions = array<i32: 1>} : vector<128x128xi32>
    %lt3A = arith.cmpi slt, %iota3A_25, %iota3A_26 : vector<128x128xi32>
    %convert_element_type3A_27 = arith.extui %lt3A : vector<128x128xi1> to vector<128x128xi32>
    %convert_element_type3A_28 = arith.sitofp %convert_element_type3A_27 : vector<128x128xi32> to vector<128x128xf32>
    %broadcast_in_dim3A_29 = arith.constant 0.000000e+00 : f32
    %broadcast_in_dim3A_30 = vector.broadcast %broadcast_in_dim3A_29 : f32 to vector<16x1xf32>
    %slice3A = vector.extract_strided_slice %convert_element_type3A_24 {offsets = [0, 0], sizes = [16, 128], strides = [1, 1]} : vector<16x2048xf32> to vector<16x128xf32>
    %dot_general3A_31 = arith.constant dense<0.000000e+00> : vector<16x128xf32>
    %dot_general3A_32 = tpu.matmul %slice3A, %convert_element_type3A_28, %dot_general3A_31 {dimension_numbers = #tpu.dot_dimension_numbers<[1], [0], [0], [1], [0, 0, 1, 1], [], []>, transpose_lhs_hint = false} : vector<16x128xf32>, vector<128x128xf32>, vector<16x128xf32> -> vector<16x128xf32>
    %add3A_33 = vector.broadcast %broadcast_in_dim3A_30 : vector<16x1xf32> to vector<16x128xf32>
    %add3A_34 = arith.addf %dot_general3A_32, %add3A_33 : vector<16x128xf32>
    %mul3A = arith.mulf %add3A_34, %slice3A : vector<16x128xf32>
    %reduce_sum3A_35 = arith.constant dense<0.000000e+00> : vector<128xf32>
    %reduce_sum3A_36 = vector.multi_reduction <add>, %mul3A, %reduce_sum3A_35 [0] : vector<16x128xf32> to vector<128xf32>
    %broadcast_in_dim3A_37 = vector.shape_cast %reduce_sum3A_36 : vector<128xf32> to vector<1x128xf32>
    %reduce_sum3A_38 = arith.constant dense<0.000000e+00> : vector<16xf32>
    %reduce_sum3A_39 = vector.multi_reduction <add>, %slice3A, %reduce_sum3A_38 [1] : vector<16x128xf32> to vector<16xf32>
    %broadcast_in_dim3A_40 = vector.shape_cast %reduce_sum3A_39 : vector<16xf32> to vector<16x1xf32>
    %add3A_41 = arith.addf %broadcast_in_dim3A_30, %broadcast_in_dim3A_40 : vector<16x1xf32>
    %slice3A_42 = vector.extract_strided_slice %convert_element_type3A_24 {offsets = [0, 128], sizes = [16, 128], strides = [1, 1]} : vector<16x2048xf32> to vector<16x128xf32>
    %dot_general3A_43 = arith.constant dense<0.000000e+00> : vector<16x128xf32>
    %dot_general3A_44 = tpu.matmul %slice3A_42, %convert_element_type3A_28, %dot_general3A_43 {dimension_numbers = #tpu.dot_dimension_numbers<[1], [0], [0], [1], [0, 0, 1, 1], [], []>, transpose_lhs_hint = false} : vector<16x128xf32>, vector<128x128xf32>, vector<16x128xf32> -> vector<16x128xf32>
    %add3A_45 = vector.broadcast %add3A_41 : vector<16x1xf32> to vector<16x128xf32>
    %add3A_46 = arith.addf %dot_general3A_44, %add3A_45 : vector<16x128xf32>
    %mul3A_47 = arith.mulf %add3A_46, %slice3A_42 : vector<16x128xf32>
    %reduce_sum3A_48 = arith.constant dense<0.000000e+00> : vector<128xf32>
    %reduce_sum3A_49 = vector.multi_reduction <add>, %mul3A_47, %reduce_sum3A_48 [0] : vector<16x128xf32> to vector<128xf32>
    %broadcast_in_dim3A_50 = vector.shape_cast %reduce_sum3A_49 : vector<128xf32> to vector<1x128xf32>
    %reduce_sum3A_51 = arith.constant dense<0.000000e+00> : vector<16xf32>
    %reduce_sum3A_52 = vector.multi_reduction <add>, %slice3A_42, %reduce_sum3A_51 [1] : vector<16x128xf32> to vector<16xf32>
    %broadcast_in_dim3A_53 = vector.shape_cast %reduce_sum3A_52 : vector<16xf32> to vector<16x1xf32>
    %add3A_54 = arith.addf %add3A_41, %broadcast_in_dim3A_53 : vector<16x1xf32>
    %slice3A_55 = vector.extract_strided_slice %convert_element_type3A_24 {offsets = [0, 256], sizes = [16, 128], strides = [1, 1]} : vector<16x2048xf32> to vector<16x128xf32>
    %dot_general3A_56 = arith.constant dense<0.000000e+00> : vector<16x128xf32>
    %dot_general3A_57 = tpu.matmul %slice3A_55, %convert_element_type3A_28, %dot_general3A_56 {dimension_numbers = #tpu.dot_dimension_numbers<[1], [0], [0], [1], [0, 0, 1, 1], [], []>, transpose_lhs_hint = false} : vector<16x128xf32>, vector<128x128xf32>, vector<16x128xf32> -> vector<16x128xf32>
    %add3A_58 = vector.broadcast %add3A_54 : vector<16x1xf32> to vector<16x128xf32>
    %add3A_59 = arith.addf %dot_general3A_57, %add3A_58 : vector<16x128xf32>
    %mul3A_60 = arith.mulf %add3A_59, %slice3A_55 : vector<16x128xf32>
    %reduce_sum3A_61 = arith.constant dense<0.000000e+00> : vector<128xf32>
    %reduce_sum3A_62 = vector.multi_reduction <add>, %mul3A_60, %reduce_sum3A_61 [0] : vector<16x128xf32> to vector<128xf32>
    %broadcast_in_dim3A_63 = vector.shape_cast %reduce_sum3A_62 : vector<128xf32> to vector<1x128xf32>
    %reduce_sum3A_64 = arith.constant dense<0.000000e+00> : vector<16xf32>
    %reduce_sum3A_65 = vector.multi_reduction <add>, %slice3A_55, %reduce_sum3A_64 [1] : vector<16x128xf32> to vector<16xf32>
    %broadcast_in_dim3A_66 = vector.shape_cast %reduce_sum3A_65 : vector<16xf32> to vector<16x1xf32>
    %add3A_67 = arith.addf %add3A_54, %broadcast_in_dim3A_66 : vector<16x1xf32>
    %slice3A_68 = vector.extract_strided_slice %convert_element_type3A_24 {offsets = [0, 384], sizes = [16, 128], strides = [1, 1]} : vector<16x2048xf32> to vector<16x128xf32>
    %dot_general3A_69 = arith.constant dense<0.000000e+00> : vector<16x128xf32>
    %dot_general3A_70 = tpu.matmul %slice3A_68, %convert_element_type3A_28, %dot_general3A_69 {dimension_numbers = #tpu.dot_dimension_numbers<[1], [0], [0], [1], [0, 0, 1, 1], [], []>, transpose_lhs_hint = false} : vector<16x128xf32>, vector<128x128xf32>, vector<16x128xf32> -> vector<16x128xf32>
    %add3A_71 = vector.broadcast %add3A_67 : vector<16x1xf32> to vector<16x128xf32>
    %add3A_72 = arith.addf %dot_general3A_70, %add3A_71 : vector<16x128xf32>
    %mul3A_73 = arith.mulf %add3A_72, %slice3A_68 : vector<16x128xf32>
    %reduce_sum3A_74 = arith.constant dense<0.000000e+00> : vector<128xf32>
    %reduce_sum3A_75 = vector.multi_reduction <add>, %mul3A_73, %reduce_sum3A_74 [0] : vector<16x128xf32> to vector<128xf32>
    %broadcast_in_dim3A_76 = vector.shape_cast %reduce_sum3A_75 : vector<128xf32> to vector<1x128xf32>
    %reduce_sum3A_77 = arith.constant dense<0.000000e+00> : vector<16xf32>
    %reduce_sum3A_78 = vector.multi_reduction <add>, %slice3A_68, %reduce_sum3A_77 [1] : vector<16x128xf32> to vector<16xf32>
    %broadcast_in_dim3A_79 = vector.shape_cast %reduce_sum3A_78 : vector<16xf32> to vector<16x1xf32>
    %add3A_80 = arith.addf %add3A_67, %broadcast_in_dim3A_79 : vector<16x1xf32>
    %slice3A_81 = vector.extract_strided_slice %convert_element_type3A_24 {offsets = [0, 512], sizes = [16, 128], strides = [1, 1]} : vector<16x2048xf32> to vector<16x128xf32>
    %dot_general3A_82 = arith.constant dense<0.000000e+00> : vector<16x128xf32>
    %dot_general3A_83 = tpu.matmul %slice3A_81, %convert_element_type3A_28, %dot_general3A_82 {dimension_numbers = #tpu.dot_dimension_numbers<[1], [0], [0], [1], [0, 0, 1, 1], [], []>, transpose_lhs_hint = false} : vector<16x128xf32>, vector<128x128xf32>, vector<16x128xf32> -> vector<16x128xf32>
    %add3A_84 = vector.broadcast %add3A_80 : vector<16x1xf32> to vector<16x128xf32>
    %add3A_85 = arith.addf %dot_general3A_83, %add3A_84 : vector<16x128xf32>
    %mul3A_86 = arith.mulf %add3A_85, %slice3A_81 : vector<16x128xf32>
    %reduce_sum3A_87 = arith.constant dense<0.000000e+00> : vector<128xf32>
    %reduce_sum3A_88 = vector.multi_reduction <add>, %mul3A_86, %reduce_sum3A_87 [0] : vector<16x128xf32> to vector<128xf32>
    %broadcast_in_dim3A_89 = vector.shape_cast %reduce_sum3A_88 : vector<128xf32> to vector<1x128xf32>
    %reduce_sum3A_90 = arith.constant dense<0.000000e+00> : vector<16xf32>
    %reduce_sum3A_91 = vector.multi_reduction <add>, %slice3A_81, %reduce_sum3A_90 [1] : vector<16x128xf32> to vector<16xf32>
    %broadcast_in_dim3A_92 = vector.shape_cast %reduce_sum3A_91 : vector<16xf32> to vector<16x1xf32>
    %add3A_93 = arith.addf %add3A_80, %broadcast_in_dim3A_92 : vector<16x1xf32>
    %slice3A_94 = vector.extract_strided_slice %convert_element_type3A_24 {offsets = [0, 640], sizes = [16, 128], strides = [1, 1]} : vector<16x2048xf32> to vector<16x128xf32>
    %dot_general3A_95 = arith.constant dense<0.000000e+00> : vector<16x128xf32>
    %dot_general3A_96 = tpu.matmul %slice3A_94, %convert_element_type3A_28, %dot_general3A_95 {dimension_numbers = #tpu.dot_dimension_numbers<[1], [0], [0], [1], [0, 0, 1, 1], [], []>, transpose_lhs_hint = false} : vector<16x128xf32>, vector<128x128xf32>, vector<16x128xf32> -> vector<16x128xf32>
    %add3A_97 = vector.broadcast %add3A_93 : vector<16x1xf32> to vector<16x128xf32>
    %add3A_98 = arith.addf %dot_general3A_96, %add3A_97 : vector<16x128xf32>
    %mul3A_99 = arith.mulf %add3A_98, %slice3A_94 : vector<16x128xf32>
    %reduce_sum3A_100 = arith.constant dense<0.000000e+00> : vector<128xf32>
    %reduce_sum3A_101 = vector.multi_reduction <add>, %mul3A_99, %reduce_sum3A_100 [0] : vector<16x128xf32> to vector<128xf32>
    %broadcast_in_dim3A_102 = vector.shape_cast %reduce_sum3A_101 : vector<128xf32> to vector<1x128xf32>
    %reduce_sum3A_103 = arith.constant dense<0.000000e+00> : vector<16xf32>
    %reduce_sum3A_104 = vector.multi_reduction <add>, %slice3A_94, %reduce_sum3A_103 [1] : vector<16x128xf32> to vector<16xf32>
    %broadcast_in_dim3A_105 = vector.shape_cast %reduce_sum3A_104 : vector<16xf32> to vector<16x1xf32>
    %add3A_106 = arith.addf %add3A_93, %broadcast_in_dim3A_105 : vector<16x1xf32>
    %slice3A_107 = vector.extract_strided_slice %convert_element_type3A_24 {offsets = [0, 768], sizes = [16, 128], strides = [1, 1]} : vector<16x2048xf32> to vector<16x128xf32>
    %dot_general3A_108 = arith.constant dense<0.000000e+00> : vector<16x128xf32>
    %dot_general3A_109 = tpu.matmul %slice3A_107, %convert_element_type3A_28, %dot_general3A_108 {dimension_numbers = #tpu.dot_dimension_numbers<[1], [0], [0], [1], [0, 0, 1, 1], [], []>, transpose_lhs_hint = false} : vector<16x128xf32>, vector<128x128xf32>, vector<16x128xf32> -> vector<16x128xf32>
    %add3A_110 = vector.broadcast %add3A_106 : vector<16x1xf32> to vector<16x128xf32>
    %add3A_111 = arith.addf %dot_general3A_109, %add3A_110 : vector<16x128xf32>
    %mul3A_112 = arith.mulf %add3A_111, %slice3A_107 : vector<16x128xf32>
    %reduce_sum3A_113 = arith.constant dense<0.000000e+00> : vector<128xf32>
    %reduce_sum3A_114 = vector.multi_reduction <add>, %mul3A_112, %reduce_sum3A_113 [0] : vector<16x128xf32> to vector<128xf32>
    %broadcast_in_dim3A_115 = vector.shape_cast %reduce_sum3A_114 : vector<128xf32> to vector<1x128xf32>
    %reduce_sum3A_116 = arith.constant dense<0.000000e+00> : vector<16xf32>
    %reduce_sum3A_117 = vector.multi_reduction <add>, %slice3A_107, %reduce_sum3A_116 [1] : vector<16x128xf32> to vector<16xf32>
    %broadcast_in_dim3A_118 = vector.shape_cast %reduce_sum3A_117 : vector<16xf32> to vector<16x1xf32>
    %add3A_119 = arith.addf %add3A_106, %broadcast_in_dim3A_118 : vector<16x1xf32>
    %slice3A_120 = vector.extract_strided_slice %convert_element_type3A_24 {offsets = [0, 896], sizes = [16, 128], strides = [1, 1]} : vector<16x2048xf32> to vector<16x128xf32>
    %dot_general3A_121 = arith.constant dense<0.000000e+00> : vector<16x128xf32>
    %dot_general3A_122 = tpu.matmul %slice3A_120, %convert_element_type3A_28, %dot_general3A_121 {dimension_numbers = #tpu.dot_dimension_numbers<[1], [0], [0], [1], [0, 0, 1, 1], [], []>, transpose_lhs_hint = false} : vector<16x128xf32>, vector<128x128xf32>, vector<16x128xf32> -> vector<16x128xf32>
    %add3A_123 = vector.broadcast %add3A_119 : vector<16x1xf32> to vector<16x128xf32>
    %add3A_124 = arith.addf %dot_general3A_122, %add3A_123 : vector<16x128xf32>
    %mul3A_125 = arith.mulf %add3A_124, %slice3A_120 : vector<16x128xf32>
    %reduce_sum3A_126 = arith.constant dense<0.000000e+00> : vector<128xf32>
    %reduce_sum3A_127 = vector.multi_reduction <add>, %mul3A_125, %reduce_sum3A_126 [0] : vector<16x128xf32> to vector<128xf32>
    %broadcast_in_dim3A_128 = vector.shape_cast %reduce_sum3A_127 : vector<128xf32> to vector<1x128xf32>
    %reduce_sum3A_129 = arith.constant dense<0.000000e+00> : vector<16xf32>
    %reduce_sum3A_130 = vector.multi_reduction <add>, %slice3A_120, %reduce_sum3A_129 [1] : vector<16x128xf32> to vector<16xf32>
    %broadcast_in_dim3A_131 = vector.shape_cast %reduce_sum3A_130 : vector<16xf32> to vector<16x1xf32>
    %add3A_132 = arith.addf %add3A_119, %broadcast_in_dim3A_131 : vector<16x1xf32>
    %slice3A_133 = vector.extract_strided_slice %convert_element_type3A_24 {offsets = [0, 1024], sizes = [16, 128], strides = [1, 1]} : vector<16x2048xf32> to vector<16x128xf32>
    %dot_general3A_134 = arith.constant dense<0.000000e+00> : vector<16x128xf32>
    %dot_general3A_135 = tpu.matmul %slice3A_133, %convert_element_type3A_28, %dot_general3A_134 {dimension_numbers = #tpu.dot_dimension_numbers<[1], [0], [0], [1], [0, 0, 1, 1], [], []>, transpose_lhs_hint = false} : vector<16x128xf32>, vector<128x128xf32>, vector<16x128xf32> -> vector<16x128xf32>
    %add3A_136 = vector.broadcast %add3A_132 : vector<16x1xf32> to vector<16x128xf32>
    %add3A_137 = arith.addf %dot_general3A_135, %add3A_136 : vector<16x128xf32>
    %mul3A_138 = arith.mulf %add3A_137, %slice3A_133 : vector<16x128xf32>
    %reduce_sum3A_139 = arith.constant dense<0.000000e+00> : vector<128xf32>
    %reduce_sum3A_140 = vector.multi_reduction <add>, %mul3A_138, %reduce_sum3A_139 [0] : vector<16x128xf32> to vector<128xf32>
    %broadcast_in_dim3A_141 = vector.shape_cast %reduce_sum3A_140 : vector<128xf32> to vector<1x128xf32>
    %reduce_sum3A_142 = arith.constant dense<0.000000e+00> : vector<16xf32>
    %reduce_sum3A_143 = vector.multi_reduction <add>, %slice3A_133, %reduce_sum3A_142 [1] : vector<16x128xf32> to vector<16xf32>
    %broadcast_in_dim3A_144 = vector.shape_cast %reduce_sum3A_143 : vector<16xf32> to vector<16x1xf32>
    %add3A_145 = arith.addf %add3A_132, %broadcast_in_dim3A_144 : vector<16x1xf32>
    %slice3A_146 = vector.extract_strided_slice %convert_element_type3A_24 {offsets = [0, 1152], sizes = [16, 128], strides = [1, 1]} : vector<16x2048xf32> to vector<16x128xf32>
    %dot_general3A_147 = arith.constant dense<0.000000e+00> : vector<16x128xf32>
    %dot_general3A_148 = tpu.matmul %slice3A_146, %convert_element_type3A_28, %dot_general3A_147 {dimension_numbers = #tpu.dot_dimension_numbers<[1], [0], [0], [1], [0, 0, 1, 1], [], []>, transpose_lhs_hint = false} : vector<16x128xf32>, vector<128x128xf32>, vector<16x128xf32> -> vector<16x128xf32>
    %add3A_149 = vector.broadcast %add3A_145 : vector<16x1xf32> to vector<16x128xf32>
    %add3A_150 = arith.addf %dot_general3A_148, %add3A_149 : vector<16x128xf32>
    %mul3A_151 = arith.mulf %add3A_150, %slice3A_146 : vector<16x128xf32>
    %reduce_sum3A_152 = arith.constant dense<0.000000e+00> : vector<128xf32>
    %reduce_sum3A_153 = vector.multi_reduction <add>, %mul3A_151, %reduce_sum3A_152 [0] : vector<16x128xf32> to vector<128xf32>
    %broadcast_in_dim3A_154 = vector.shape_cast %reduce_sum3A_153 : vector<128xf32> to vector<1x128xf32>
    %reduce_sum3A_155 = arith.constant dense<0.000000e+00> : vector<16xf32>
    %reduce_sum3A_156 = vector.multi_reduction <add>, %slice3A_146, %reduce_sum3A_155 [1] : vector<16x128xf32> to vector<16xf32>
    %broadcast_in_dim3A_157 = vector.shape_cast %reduce_sum3A_156 : vector<16xf32> to vector<16x1xf32>
    %add3A_158 = arith.addf %add3A_145, %broadcast_in_dim3A_157 : vector<16x1xf32>
    %slice3A_159 = vector.extract_strided_slice %convert_element_type3A_24 {offsets = [0, 1280], sizes = [16, 128], strides = [1, 1]} : vector<16x2048xf32> to vector<16x128xf32>
    %dot_general3A_160 = arith.constant dense<0.000000e+00> : vector<16x128xf32>
    %dot_general3A_161 = tpu.matmul %slice3A_159, %convert_element_type3A_28, %dot_general3A_160 {dimension_numbers = #tpu.dot_dimension_numbers<[1], [0], [0], [1], [0, 0, 1, 1], [], []>, transpose_lhs_hint = false} : vector<16x128xf32>, vector<128x128xf32>, vector<16x128xf32> -> vector<16x128xf32>
    %add3A_162 = vector.broadcast %add3A_158 : vector<16x1xf32> to vector<16x128xf32>
    %add3A_163 = arith.addf %dot_general3A_161, %add3A_162 : vector<16x128xf32>
    %mul3A_164 = arith.mulf %add3A_163, %slice3A_159 : vector<16x128xf32>
    %reduce_sum3A_165 = arith.constant dense<0.000000e+00> : vector<128xf32>
    %reduce_sum3A_166 = vector.multi_reduction <add>, %mul3A_164, %reduce_sum3A_165 [0] : vector<16x128xf32> to vector<128xf32>
    %broadcast_in_dim3A_167 = vector.shape_cast %reduce_sum3A_166 : vector<128xf32> to vector<1x128xf32>
    %reduce_sum3A_168 = arith.constant dense<0.000000e+00> : vector<16xf32>
    %reduce_sum3A_169 = vector.multi_reduction <add>, %slice3A_159, %reduce_sum3A_168 [1] : vector<16x128xf32> to vector<16xf32>
    %broadcast_in_dim3A_170 = vector.shape_cast %reduce_sum3A_169 : vector<16xf32> to vector<16x1xf32>
    %add3A_171 = arith.addf %add3A_158, %broadcast_in_dim3A_170 : vector<16x1xf32>
    %slice3A_172 = vector.extract_strided_slice %convert_element_type3A_24 {offsets = [0, 1408], sizes = [16, 128], strides = [1, 1]} : vector<16x2048xf32> to vector<16x128xf32>
    %dot_general3A_173 = arith.constant dense<0.000000e+00> : vector<16x128xf32>
    %dot_general3A_174 = tpu.matmul %slice3A_172, %convert_element_type3A_28, %dot_general3A_173 {dimension_numbers = #tpu.dot_dimension_numbers<[1], [0], [0], [1], [0, 0, 1, 1], [], []>, transpose_lhs_hint = false} : vector<16x128xf32>, vector<128x128xf32>, vector<16x128xf32> -> vector<16x128xf32>
    %add3A_175 = vector.broadcast %add3A_171 : vector<16x1xf32> to vector<16x128xf32>
    %add3A_176 = arith.addf %dot_general3A_174, %add3A_175 : vector<16x128xf32>
    %mul3A_177 = arith.mulf %add3A_176, %slice3A_172 : vector<16x128xf32>
    %reduce_sum3A_178 = arith.constant dense<0.000000e+00> : vector<128xf32>
    %reduce_sum3A_179 = vector.multi_reduction <add>, %mul3A_177, %reduce_sum3A_178 [0] : vector<16x128xf32> to vector<128xf32>
    %broadcast_in_dim3A_180 = vector.shape_cast %reduce_sum3A_179 : vector<128xf32> to vector<1x128xf32>
    %reduce_sum3A_181 = arith.constant dense<0.000000e+00> : vector<16xf32>
    %reduce_sum3A_182 = vector.multi_reduction <add>, %slice3A_172, %reduce_sum3A_181 [1] : vector<16x128xf32> to vector<16xf32>
    %broadcast_in_dim3A_183 = vector.shape_cast %reduce_sum3A_182 : vector<16xf32> to vector<16x1xf32>
    %add3A_184 = arith.addf %add3A_171, %broadcast_in_dim3A_183 : vector<16x1xf32>
    %slice3A_185 = vector.extract_strided_slice %convert_element_type3A_24 {offsets = [0, 1536], sizes = [16, 128], strides = [1, 1]} : vector<16x2048xf32> to vector<16x128xf32>
    %dot_general3A_186 = arith.constant dense<0.000000e+00> : vector<16x128xf32>
    %dot_general3A_187 = tpu.matmul %slice3A_185, %convert_element_type3A_28, %dot_general3A_186 {dimension_numbers = #tpu.dot_dimension_numbers<[1], [0], [0], [1], [0, 0, 1, 1], [], []>, transpose_lhs_hint = false} : vector<16x128xf32>, vector<128x128xf32>, vector<16x128xf32> -> vector<16x128xf32>
    %add3A_188 = vector.broadcast %add3A_184 : vector<16x1xf32> to vector<16x128xf32>
    %add3A_189 = arith.addf %dot_general3A_187, %add3A_188 : vector<16x128xf32>
    %mul3A_190 = arith.mulf %add3A_189, %slice3A_185 : vector<16x128xf32>
    %reduce_sum3A_191 = arith.constant dense<0.000000e+00> : vector<128xf32>
    %reduce_sum3A_192 = vector.multi_reduction <add>, %mul3A_190, %reduce_sum3A_191 [0] : vector<16x128xf32> to vector<128xf32>
    %broadcast_in_dim3A_193 = vector.shape_cast %reduce_sum3A_192 : vector<128xf32> to vector<1x128xf32>
    %reduce_sum3A_194 = arith.constant dense<0.000000e+00> : vector<16xf32>
    %reduce_sum3A_195 = vector.multi_reduction <add>, %slice3A_185, %reduce_sum3A_194 [1] : vector<16x128xf32> to vector<16xf32>
    %broadcast_in_dim3A_196 = vector.shape_cast %reduce_sum3A_195 : vector<16xf32> to vector<16x1xf32>
    %add3A_197 = arith.addf %add3A_184, %broadcast_in_dim3A_196 : vector<16x1xf32>
    %slice3A_198 = vector.extract_strided_slice %convert_element_type3A_24 {offsets = [0, 1664], sizes = [16, 128], strides = [1, 1]} : vector<16x2048xf32> to vector<16x128xf32>
    %dot_general3A_199 = arith.constant dense<0.000000e+00> : vector<16x128xf32>
    %dot_general3A_200 = tpu.matmul %slice3A_198, %convert_element_type3A_28, %dot_general3A_199 {dimension_numbers = #tpu.dot_dimension_numbers<[1], [0], [0], [1], [0, 0, 1, 1], [], []>, transpose_lhs_hint = false} : vector<16x128xf32>, vector<128x128xf32>, vector<16x128xf32> -> vector<16x128xf32>
    %add3A_201 = vector.broadcast %add3A_197 : vector<16x1xf32> to vector<16x128xf32>
    %add3A_202 = arith.addf %dot_general3A_200, %add3A_201 : vector<16x128xf32>
    %mul3A_203 = arith.mulf %add3A_202, %slice3A_198 : vector<16x128xf32>
    %reduce_sum3A_204 = arith.constant dense<0.000000e+00> : vector<128xf32>
    %reduce_sum3A_205 = vector.multi_reduction <add>, %mul3A_203, %reduce_sum3A_204 [0] : vector<16x128xf32> to vector<128xf32>
    %broadcast_in_dim3A_206 = vector.shape_cast %reduce_sum3A_205 : vector<128xf32> to vector<1x128xf32>
    %reduce_sum3A_207 = arith.constant dense<0.000000e+00> : vector<16xf32>
    %reduce_sum3A_208 = vector.multi_reduction <add>, %slice3A_198, %reduce_sum3A_207 [1] : vector<16x128xf32> to vector<16xf32>
    %broadcast_in_dim3A_209 = vector.shape_cast %reduce_sum3A_208 : vector<16xf32> to vector<16x1xf32>
    %add3A_210 = arith.addf %add3A_197, %broadcast_in_dim3A_209 : vector<16x1xf32>
    %slice3A_211 = vector.extract_strided_slice %convert_element_type3A_24 {offsets = [0, 1792], sizes = [16, 128], strides = [1, 1]} : vector<16x2048xf32> to vector<16x128xf32>
    %dot_general3A_212 = arith.constant dense<0.000000e+00> : vector<16x128xf32>
    %dot_general3A_213 = tpu.matmul %slice3A_211, %convert_element_type3A_28, %dot_general3A_212 {dimension_numbers = #tpu.dot_dimension_numbers<[1], [0], [0], [1], [0, 0, 1, 1], [], []>, transpose_lhs_hint = false} : vector<16x128xf32>, vector<128x128xf32>, vector<16x128xf32> -> vector<16x128xf32>
    %add3A_214 = vector.broadcast %add3A_210 : vector<16x1xf32> to vector<16x128xf32>
    %add3A_215 = arith.addf %dot_general3A_213, %add3A_214 : vector<16x128xf32>
    %mul3A_216 = arith.mulf %add3A_215, %slice3A_211 : vector<16x128xf32>
    %reduce_sum3A_217 = arith.constant dense<0.000000e+00> : vector<128xf32>
    %reduce_sum3A_218 = vector.multi_reduction <add>, %mul3A_216, %reduce_sum3A_217 [0] : vector<16x128xf32> to vector<128xf32>
    %broadcast_in_dim3A_219 = vector.shape_cast %reduce_sum3A_218 : vector<128xf32> to vector<1x128xf32>
    %reduce_sum3A_220 = arith.constant dense<0.000000e+00> : vector<16xf32>
    %reduce_sum3A_221 = vector.multi_reduction <add>, %slice3A_211, %reduce_sum3A_220 [1] : vector<16x128xf32> to vector<16xf32>
    %broadcast_in_dim3A_222 = vector.shape_cast %reduce_sum3A_221 : vector<16xf32> to vector<16x1xf32>
    %add3A_223 = arith.addf %add3A_210, %broadcast_in_dim3A_222 : vector<16x1xf32>
    %slice3A_224 = vector.extract_strided_slice %convert_element_type3A_24 {offsets = [0, 1920], sizes = [16, 128], strides = [1, 1]} : vector<16x2048xf32> to vector<16x128xf32>
    %dot_general3A_225 = arith.constant dense<0.000000e+00> : vector<16x128xf32>
    %dot_general3A_226 = tpu.matmul %slice3A_224, %convert_element_type3A_28, %dot_general3A_225 {dimension_numbers = #tpu.dot_dimension_numbers<[1], [0], [0], [1], [0, 0, 1, 1], [], []>, transpose_lhs_hint = false} : vector<16x128xf32>, vector<128x128xf32>, vector<16x128xf32> -> vector<16x128xf32>
    %add3A_227 = vector.broadcast %add3A_223 : vector<16x1xf32> to vector<16x128xf32>
    %add3A_228 = arith.addf %dot_general3A_226, %add3A_227 : vector<16x128xf32>
    %mul3A_229 = arith.mulf %add3A_228, %slice3A_224 : vector<16x128xf32>
    %reduce_sum3A_230 = arith.constant dense<0.000000e+00> : vector<128xf32>
    %reduce_sum3A_231 = vector.multi_reduction <add>, %mul3A_229, %reduce_sum3A_230 [0] : vector<16x128xf32> to vector<128xf32>
    %broadcast_in_dim3A_232 = vector.shape_cast %reduce_sum3A_231 : vector<128xf32> to vector<1x128xf32>
    %reduce_sum3A_233 = arith.constant dense<0.000000e+00> : vector<16xf32>
    %reduce_sum3A_234 = vector.multi_reduction <add>, %slice3A_224, %reduce_sum3A_233 [1] : vector<16x128xf32> to vector<16xf32>
    %broadcast_in_dim3A_235 = vector.shape_cast %reduce_sum3A_234 : vector<16xf32> to vector<16x1xf32>
    %add3A_236 = arith.addf %add3A_223, %broadcast_in_dim3A_235 : vector<16x1xf32>
    %concatenate3A = tpu.concatenate %broadcast_in_dim3A_37, %broadcast_in_dim3A_50, %broadcast_in_dim3A_63, %broadcast_in_dim3A_76, %broadcast_in_dim3A_89, %broadcast_in_dim3A_102, %broadcast_in_dim3A_115, %broadcast_in_dim3A_128, %broadcast_in_dim3A_141, %broadcast_in_dim3A_154, %broadcast_in_dim3A_167, %broadcast_in_dim3A_180, %broadcast_in_dim3A_193, %broadcast_in_dim3A_206, %broadcast_in_dim3A_219, %broadcast_in_dim3A_232 in 1 : vector<1x128xf32>, vector<1x128xf32>, vector<1x128xf32>, vector<1x128xf32>, vector<1x128xf32>, vector<1x128xf32>, vector<1x128xf32>, vector<1x128xf32>, vector<1x128xf32>, vector<1x128xf32>, vector<1x128xf32>, vector<1x128xf32>, vector<1x128xf32>, vector<1x128xf32>, vector<1x128xf32>, vector<1x128xf32> -> vector<1x2048xf32>
    %div3A_237 = arith.constant 1.280000e+02 : f32
    %div3A_238 = vector.broadcast %div3A_237 : f32 to vector<16x1xf32>
    %div3A_239 = arith.divf %add3A_236, %div3A_238 : vector<16x1xf32>
    %ceil3A = math.ceil %div3A_239 : vector<16x1xf32>
    %iota3A_240 = tpu.iota {dimensions = array<i32: 0>} : vector<16x16xi32>
    %iota3A_241 = tpu.iota {dimensions = array<i32: 1>} : vector<16x16xi32>
    %le3A = arith.cmpi sle, %iota3A_241, %iota3A_240 : vector<16x16xi32>
    %convert_element_type3A_242 = arith.extui %le3A : vector<16x16xi1> to vector<16x16xi32>
    %convert_element_type3A_243 = arith.sitofp %convert_element_type3A_242 : vector<16x16xi32> to vector<16x16xf32>
    %dot_general3A_244 = arith.constant dense<0.000000e+00> : vector<16x1xf32>
    %dot_general3A_245 = tpu.matmul %convert_element_type3A_243, %ceil3A, %dot_general3A_244 {dimension_numbers = #tpu.dot_dimension_numbers<[1], [0], [0], [1], [0, 0, 1, 1], [], []>, transpose_lhs_hint = false} : vector<16x16xf32>, vector<16x1xf32>, vector<16x1xf32> -> vector<16x1xf32>
    %sub3A_246 = arith.subf %dot_general3A_245, %ceil3A : vector<16x1xf32>
    %mul3A_247 = arith.constant 1.280000e+02 : f32
    %mul3A_248 = vector.broadcast %mul3A_247 : f32 to vector<16x1xf32>
    %mul3A_249 = arith.mulf %mul3A_248, %sub3A_246 : vector<16x1xf32>
    %mul3A_250 = vector.broadcast %mul3A_249 : vector<16x1xf32> to vector<16x2048xf32>
    %mul3A_251 = arith.mulf %convert_element_type3A_24, %mul3A_250 : vector<16x2048xf32>
    %reduce_sum3A_252 = arith.constant dense<0.000000e+00> : vector<2048xf32>
    %reduce_sum3A_253 = vector.multi_reduction <add>, %mul3A_251, %reduce_sum3A_252 [0] : vector<16x2048xf32> to vector<2048xf32>
    %broadcast_in_dim3A_254 = vector.shape_cast %reduce_sum3A_253 : vector<2048xf32> to vector<1x2048xf32>
    %add3A_255 = arith.addf %broadcast_in_dim3A_254, %concatenate3A : vector<1x2048xf32>
    %convert_element_type3A_256 = arith.fptosi %add3A_255 : vector<1x2048xf32> to vector<1x2048xi32>
    %swap3A = arith.constant 0 : index
    %swap3A_257 = arith.constant 0 : index
    %swap3A_258 = vector.load %arg3[%swap3A, %swap3A_257] : memref<1x2048xi32, #tpu.memory_space<vmem>>, vector<1x2048xi32>
    tpu.vector_store %arg3[%swap3A, %swap3A_257], %convert_element_type3A_256 {strides = array<i32>} : memref<1x2048xi32, #tpu.memory_space<vmem>>, vector<1x2048xi32>,
    %swap3A_259 = arith.constant 0 : index
    %swap3A_260 = arith.constant 0 : index
    %swap3A_261 = vector.load %arg4[%swap3A_259, %swap3A_260] : memref<1x2048xf32, #tpu.memory_space<vmem>>, vector<1x2048xf32>
    tpu.vector_store %arg4[%swap3A_259, %swap3A_260], %broadcast_in_dim3A_17 {strides = array<i32>} : memref<1x2048xf32, #tpu.memory_space<vmem>>, vector<1x2048xf32>,
    %reduce_max3A_262 = vector.shape_cast %dot_general3A_245 : vector<16x1xf32> to vector<1x16x1xf32>
    %reduce_max3A_263 = arith.constant dense<0xFF800000> : vector<1xf32>
    %reduce_max3A_264 = vector.multi_reduction <maximumf>, %reduce_max3A_262, %reduce_max3A_263 [1, 2] : vector<1x16x1xf32> to vector<1xf32>
    %reduce_max3A_265 = vector.shape_cast %reduce_max3A_264 : vector<1xf32> to vector<1x1x1xf32>
    %reduce_max3A_266 = vector.extract %reduce_max3A_265[0, 0, 0] : f32 from vector<1x1x1xf32>
    %iota3A_267 = tpu.iota {dimensions = array<i32: 1>} : vector<16x32xi32>
    %convert_element_type3A_268 = arith.sitofp %iota3A_267 : vector<16x32xi32> to vector<16x32xf32>
    %broadcast_in_dim3A_269 = vector.shape_cast %dot_general3A_245 : vector<16x1xf32> to vector<16x1xf32>
    %broadcast_in_dim3A_270 = vector.broadcast %broadcast_in_dim3A_269 : vector<16x1xf32> to vector<16x32xf32>
    %le3A_271 = arith.cmpf ole, %broadcast_in_dim3A_270, %convert_element_type3A_268 : vector<16x32xf32>
    %convert_element_type3A_272 = arith.extui %le3A_271 : vector<16x32xi1> to vector<16x32xi32>
    %reduce_sum3A_273 = arith.constant dense<0> : vector<32xi32>
    %reduce_sum3A_274 = vector.multi_reduction <add>, %convert_element_type3A_272, %reduce_sum3A_273 [0] : vector<16x32xi32> to vector<32xi32>
    %broadcast_in_dim3A_275 = vector.shape_cast %reduce_sum3A_274 : vector<32xi32> to vector<1x32xi32>
    %sub3A_276 = arith.constant 1.000000e+00 : f32
    %sub3A_277 = arith.subf %reduce_max3A_266, %sub3A_276 : f32
    %le3A_278 = vector.broadcast %sub3A_277 : f32 to vector<16x1xf32>
    %le3A_279 = arith.cmpf ole, %dot_general3A_245, %le3A_278 : vector<16x1xf32>
    %convert_element_type3A_280 = arith.extui %le3A_279 : vector<16x1xi1> to vector<16x1xi32>
    %reduce_sum3A_281 = arith.constant dense<0> : vector<1xi32>
    %reduce_sum3A_282 = vector.multi_reduction <add>, %convert_element_type3A_280, %reduce_sum3A_281 [0] : vector<16x1xi32> to vector<1xi32>
    %broadcast_in_dim3A_283 = vector.shape_cast %reduce_sum3A_282 : vector<1xi32> to vector<1x1xi32>
    %iota3A_284 = tpu.iota {dimensions = array<i32: 1>} : vector<1x32xi32>
    %convert_element_type3A_285 = arith.sitofp %iota3A_284 : vector<1x32xi32> to vector<1x32xf32>
    %lt3A_286 = vector.broadcast %reduce_max3A_266 : f32 to vector<1x32xf32>
    %lt3A_287 = arith.cmpf olt, %convert_element_type3A_285, %lt3A_286 : vector<1x32xf32>
    %min3A = arith.constant 15 : i32
    %min3A_288 = vector.broadcast %min3A : i32 to vector<1x32xi32>
    %min3A_289 = arith.minsi %broadcast_in_dim3A_275, %min3A_288 : vector<1x32xi32>
    %broadcast_in_dim3A_290 = vector.shape_cast %broadcast_in_dim3A_283 : vector<1x1xi32> to vector<1x1xi32>
    %broadcast_in_dim3A_291 = vector.broadcast %broadcast_in_dim3A_290 : vector<1x1xi32> to vector<1x32xi32>
    %select_n3A_292 = arith.select %lt3A_287, %min3A_289, %broadcast_in_dim3A_291 : vector<1x32xi1>, vector<1x32xi32>
    %swap3A_293 = arith.constant 0 : index
    %swap3A_294 = arith.constant 0 : index
    %swap3A_295 = vector.load %arg5[%swap3A_293, %swap3A_294] : memref<1x32xi32, #tpu.memory_space<vmem>>, vector<1x32xi32>
    tpu.vector_store %arg5[%swap3A_293, %swap3A_294], %select_n3A_292 {strides = array<i32>} : memref<1x32xi32, #tpu.memory_space<vmem>>, vector<1x32xi32>,
    %convert_element_type3A_296 = arith.extui %lt3A_287 : vector<1x32xi1> to vector<1x32xi32>
    %swap3A_297 = arith.constant 0 : index
    %swap3A_298 = arith.constant 0 : index
    %swap3A_299 = vector.load %arg6[%swap3A_297, %swap3A_298] : memref<1x32xi32, #tpu.memory_space<vmem>>, vector<1x32xi32>
    tpu.vector_store %arg6[%swap3A_297, %swap3A_298], %convert_element_type3A_296 {strides = array<i32>} : memref<1x32xi32, #tpu.memory_space<vmem>>, vector<1x32xi32>,
    return
  }
}

module attributes {stable_mosaic.version = 14 : i64} {
  func.func @_ffn_body(%arg0: i32, %arg1: memref<1x32xi32, #tpu.memory_space<smem>>, %arg2: memref<1x32xi32, #tpu.memory_space<smem>>, %arg3: memref<128x768xf32, #tpu.memory_space<vmem>>, %arg4: memref<1x768x3072xf32, #tpu.memory_space<vmem>>, %arg5: memref<1x1x3072xf32, #tpu.memory_space<vmem>>, %arg6: memref<1x3072x768xf32, #tpu.memory_space<vmem>>, %arg7: memref<1x1x768xf32, #tpu.memory_space<vmem>>, %arg8: memref<128x128xf32, #tpu.memory_space<vmem>>, %arg9: memref<128x768xf32, #tpu.memory_space<vmem>>) attributes {dimension_semantics = [#tpu.dimension_semantics<arbitrary>], iteration_bounds = array<i64: 32>, scalar_prefetch = 2 : i64, scratch_operands = 0 : i64, tpu.core_type = #tpu.core_type<tc>, window_params = [{transform_indices = @transform_0, window_bounds = array<i64: 128, 768>}, {transform_indices = @transform_1, window_bounds = array<i64: 1, 768, 3072>}, {transform_indices = @transform_2, window_bounds = array<i64: 1, 1, 3072>}, {transform_indices = @transform_3, window_bounds = array<i64: 1, 3072, 768>}, {transform_indices = @transform_4, window_bounds = array<i64: 1, 1, 768>}, {transform_indices = @transform_5, window_bounds = array<i64: 128, 128>}, {transform_indices = @transform_6, window_bounds = array<i64: 128, 768>}]} {
    %get3A = arith.constant 0 : index
    %get3A_0 = arith.index_cast %arg0 : i32 to index
    %get3A_1 = memref.load %arg2[%get3A, %get3A_0] : memref<1x32xi32, #tpu.memory_space<smem>>
    %ne3A = arith.constant 0 : i32
    %ne3A_2 = arith.cmpi ne, %get3A_1, %ne3A : i32
    %convert_element_type3A = arith.extui %ne3A_2 : i1 to i32
    %cond3A = arith.constant 0 : i32
    %cond3A_3 = arith.cmpi ne, %convert_element_type3A, %cond3A : i32
    scf.if %cond3A_3 {
      %get3A_4 = arith.constant 0 : index
      %get3A_5 = arith.constant 0 : index
      %get3A_6 = vector.load %arg3[%get3A_4, %get3A_5] : memref<128x768xf32, #tpu.memory_space<vmem>>, vector<128x768xf32>
      %convert_element_type3A_7 = arith.truncf %get3A_6 : vector<128x768xf32> to vector<128x768xbf16>
      %get3A_8 = arith.constant 0 : index
      %get3A_9 = arith.constant 0 : index
      %get3A_10 = arith.constant 0 : index
      %get3A_11 = vector.load %arg4[%get3A_8, %get3A_9, %get3A_10] : memref<1x768x3072xf32, #tpu.memory_space<vmem>>, vector<1x768x3072xf32>
      %get3A_12 = vector.shape_cast %get3A_11 : vector<1x768x3072xf32> to vector<768x3072xf32>
      %convert_element_type3A_13 = arith.truncf %get3A_12 : vector<768x3072xf32> to vector<768x3072xbf16>
      %dot_general3A = arith.constant dense<0.000000e+00> : vector<128x3072xf32>
      %dot_general3A_14 = tpu.matmul %convert_element_type3A_7, %convert_element_type3A_13, %dot_general3A {dimension_numbers = #tpu.dot_dimension_numbers<[1], [0], [0], [1], [0, 0, 1, 1], [], []>, transpose_lhs_hint = false} : vector<128x768xbf16>, vector<768x3072xbf16>, vector<128x3072xf32> -> vector<128x3072xf32>
      %get3A_15 = arith.constant 0 : index
      %get3A_16 = arith.constant 0 : index
      %get3A_17 = arith.constant 0 : index
      %get3A_18 = vector.load %arg5[%get3A_15, %get3A_16, %get3A_17] : memref<1x1x3072xf32, #tpu.memory_space<vmem>>, vector<1x1x3072xf32>
      %get3A_19 = vector.shape_cast %get3A_18 : vector<1x1x3072xf32> to vector<1x3072xf32>
      %add3A = vector.broadcast %get3A_19 : vector<1x3072xf32> to vector<128x3072xf32>
      %add3A_20 = arith.addf %dot_general3A_14, %add3A : vector<128x3072xf32>
      %mul3A = arith.constant 5.000000e-01 : f32
      %mul3A_21 = vector.broadcast %mul3A : f32 to vector<128x3072xf32>
      %mul3A_22 = arith.mulf %add3A_20, %mul3A_21 : vector<128x3072xf32>
      %mul3A_23 = arith.constant 0.707106769 : f32
      %mul3A_24 = vector.broadcast %mul3A_23 : f32 to vector<128x3072xf32>
      %mul3A_25 = arith.mulf %add3A_20, %mul3A_24 : vector<128x3072xf32>
      %erf3A = math.erf %mul3A_25 : vector<128x3072xf32>
      %add3A_26 = arith.constant 1.000000e+00 : f32
      %add3A_27 = vector.broadcast %add3A_26 : f32 to vector<128x3072xf32>
      %add3A_28 = arith.addf %add3A_27, %erf3A : vector<128x3072xf32>
      %mul3A_29 = arith.mulf %mul3A_22, %add3A_28 : vector<128x3072xf32>
      %convert_element_type3A_30 = arith.truncf %mul3A_29 : vector<128x3072xf32> to vector<128x3072xbf16>
      %get3A_31 = arith.constant 0 : index
      %get3A_32 = arith.constant 0 : index
      %get3A_33 = arith.constant 0 : index
      %get3A_34 = vector.load %arg6[%get3A_31, %get3A_32, %get3A_33] : memref<1x3072x768xf32, #tpu.memory_space<vmem>>, vector<1x3072x768xf32>
      %get3A_35 = vector.shape_cast %get3A_34 : vector<1x3072x768xf32> to vector<3072x768xf32>
      %convert_element_type3A_36 = arith.truncf %get3A_35 : vector<3072x768xf32> to vector<3072x768xbf16>
      %dot_general3A_37 = arith.constant dense<0.000000e+00> : vector<128x768xf32>
      %dot_general3A_38 = tpu.matmul %convert_element_type3A_30, %convert_element_type3A_36, %dot_general3A_37 {dimension_numbers = #tpu.dot_dimension_numbers<[1], [0], [0], [1], [0, 0, 1, 1], [], []>, transpose_lhs_hint = false} : vector<128x3072xbf16>, vector<3072x768xbf16>, vector<128x768xf32> -> vector<128x768xf32>
      %get3A_39 = arith.constant 0 : index
      %get3A_40 = arith.constant 0 : index
      %get3A_41 = arith.constant 0 : index
      %get3A_42 = vector.load %arg7[%get3A_39, %get3A_40, %get3A_41] : memref<1x1x768xf32, #tpu.memory_space<vmem>>, vector<1x1x768xf32>
      %get3A_43 = vector.shape_cast %get3A_42 : vector<1x1x768xf32> to vector<1x768xf32>
      %add3A_44 = vector.broadcast %get3A_43 : vector<1x768xf32> to vector<128x768xf32>
      %add3A_45 = arith.addf %dot_general3A_38, %add3A_44 : vector<128x768xf32>
      %get3A_46 = arith.constant 0 : index
      %get3A_47 = arith.constant 0 : index
      %get3A_48 = vector.load %arg8[%get3A_46, %get3A_47] : memref<128x128xf32, #tpu.memory_space<vmem>>, vector<128x128xf32>
      %slice3A = vector.extract_strided_slice %get3A_48 {offsets = [0, 0], sizes = [128, 1], strides = [1, 1]} : vector<128x128xf32> to vector<128x1xf32>
      %mul3A_49 = vector.broadcast %slice3A : vector<128x1xf32> to vector<128x768xf32>
      %mul3A_50 = arith.mulf %add3A_45, %mul3A_49 : vector<128x768xf32>
      %swap3A = arith.constant 0 : index
      %swap3A_51 = arith.constant 0 : index
      %swap3A_52 = vector.load %arg9[%swap3A, %swap3A_51] : memref<128x768xf32, #tpu.memory_space<vmem>>, vector<128x768xf32>
      tpu.vector_store %arg9[%swap3A, %swap3A_51], %mul3A_50 {strides = array<i32>} : memref<128x768xf32, #tpu.memory_space<vmem>>, vector<128x768xf32>,
    } else {
    }
    return
  }
  func.func @transform_0(%arg0: i32, %arg1: memref<1x32xi32, #tpu.memory_space<smem>>, %arg2: memref<1x32xi32, #tpu.memory_space<smem>>) -> (i32, i32) {
    %c0_i32 = arith.constant 0 : i32
    %c0_i32_0 = arith.constant 0 : i32
    return %arg0, %c0_i32 : i32, i32
  }
  func.func @transform_1(%arg0: i32, %arg1: memref<1x32xi32, #tpu.memory_space<smem>>, %arg2: memref<1x32xi32, #tpu.memory_space<smem>>) -> (i32, i32, i32) {
    %get3A = arith.constant 0 : index
    %get3A_0 = arith.index_cast %arg0 : i32 to index
    %get3A_1 = memref.load %arg1[%get3A, %get3A_0] : memref<1x32xi32, #tpu.memory_space<smem>>
    %c0_i32 = arith.constant 0 : i32
    %c0_i32_2 = arith.constant 0 : i32
    %c0_i32_3 = arith.constant 0 : i32
    return %get3A_1, %c0_i32, %c0_i32_2 : i32, i32, i32
  }
  func.func @transform_2(%arg0: i32, %arg1: memref<1x32xi32, #tpu.memory_space<smem>>, %arg2: memref<1x32xi32, #tpu.memory_space<smem>>) -> (i32, i32, i32) {
    %get3A = arith.constant 0 : index
    %get3A_0 = arith.index_cast %arg0 : i32 to index
    %get3A_1 = memref.load %arg1[%get3A, %get3A_0] : memref<1x32xi32, #tpu.memory_space<smem>>
    %c0_i32 = arith.constant 0 : i32
    %c0_i32_2 = arith.constant 0 : i32
    %c0_i32_3 = arith.constant 0 : i32
    return %get3A_1, %c0_i32, %c0_i32_2 : i32, i32, i32
  }
  func.func @transform_3(%arg0: i32, %arg1: memref<1x32xi32, #tpu.memory_space<smem>>, %arg2: memref<1x32xi32, #tpu.memory_space<smem>>) -> (i32, i32, i32) {
    %get3A = arith.constant 0 : index
    %get3A_0 = arith.index_cast %arg0 : i32 to index
    %get3A_1 = memref.load %arg1[%get3A, %get3A_0] : memref<1x32xi32, #tpu.memory_space<smem>>
    %c0_i32 = arith.constant 0 : i32
    %c0_i32_2 = arith.constant 0 : i32
    %c0_i32_3 = arith.constant 0 : i32
    return %get3A_1, %c0_i32, %c0_i32_2 : i32, i32, i32
  }
  func.func @transform_4(%arg0: i32, %arg1: memref<1x32xi32, #tpu.memory_space<smem>>, %arg2: memref<1x32xi32, #tpu.memory_space<smem>>) -> (i32, i32, i32) {
    %get3A = arith.constant 0 : index
    %get3A_0 = arith.index_cast %arg0 : i32 to index
    %get3A_1 = memref.load %arg1[%get3A, %get3A_0] : memref<1x32xi32, #tpu.memory_space<smem>>
    %c0_i32 = arith.constant 0 : i32
    %c0_i32_2 = arith.constant 0 : i32
    %c0_i32_3 = arith.constant 0 : i32
    return %get3A_1, %c0_i32, %c0_i32_2 : i32, i32, i32
  }
  func.func @transform_5(%arg0: i32, %arg1: memref<1x32xi32, #tpu.memory_space<smem>>, %arg2: memref<1x32xi32, #tpu.memory_space<smem>>) -> (i32, i32) {
    %c0_i32 = arith.constant 0 : i32
    %c0_i32_0 = arith.constant 0 : i32
    return %arg0, %c0_i32 : i32, i32
  }
  func.func @transform_6(%arg0: i32, %arg1: memref<1x32xi32, #tpu.memory_space<smem>>, %arg2: memref<1x32xi32, #tpu.memory_space<smem>>) -> (i32, i32) {
    %c0_i32 = arith.constant 0 : i32
    %c0_i32_0 = arith.constant 0 : i32
    return %arg0, %c0_i32 : i32, i32
  }
}

</mosaic_0001>

<sc_bundles>
// kernel: kernel.6.cloned.1.call-start
scs
__scs_entry_jumppad:
0x0: {  	(pc) =	sbr.rel $0x88, $3  }
0x1: {  	(tag) =	ssettag $0x0;
	lr =	simm.s32 $0x1  }
0x2: {  	[smem:$0x3F9A] =	sst lr;
	_ =	strace $0xD0000000  }
0x3: {  	_ = 	snop  }
0x4: {  	_ = 	snop  }
0x5: {  	_ = 	snop  }
0x6: {  	_ = 	snop  }
0x7: {  	_ = 	snop  }
__scs_overlays_trampoline_lowered:
0x8: {  	[smem:$0x3FA9] =	sst s0  }
0x9: {  	[smem:$0x3FAA] =	sst s1  }
0xa: {  	[smem:$0x3FAB] =	sst s2  }
0xb: {  	[smem:$0x3FAC] =	sst s3  }
0xc: {  	[smem:$0x3FAD] =	sst s4  }
0xd: {  	[smem:$0x3FAE] =	sst s5  }
0xe: {  	[smem:$0x3FAF] =	sst s6  }
0xf: {  	[smem:$0x3FB0] =	sst s7  }
0x10: {  	[smem:$0x3FB1] =	sst s8  }
0x11: {  	[smem:$0x3FB2] =	sst s9;
	s0 =	simm.s32 @!p0 $0x0  }
0x12: {  	s1 =	sld [smem:$0x3F98];
	s0 =	simm.s32 @p0 $0x1  }
0x13: {  	[smem:$0x3FB3] =	sst s0;
	s0 =	simm.s32 @!p1 $0x0  }
0x14: {  	s2 =	sld [smem:$0x3F97];
	s0 =	simm.s32 @p1 $0x1  }
0x15: {  	[smem:$0x3FB4] =	sst s0;
	s0 =	simm.s32 @!p2 $0x0  }
0x16: {  	s3 =	sld [smem:$0x3FDB];
	s0 =	simm.s32 @p2 $0x1  }
0x17: {  	s4 =	simm.s32 $0x1BF5;
	[smem:$0x3FB6] =	sst s0  }
0x18: {  	s0 =	sld [smem:$0x3F99];
	_ =	swait.ge [sflag:s4], $0x0  }
0x19: {  	s7 =	sld [smem:$0x3F9A]  }
0x1a: {  	s8 =	sadd.s32 $0xFFFFE003, lr  }
0x1b: {  	s9 =	sadd.s32 $0xFFFFFEF7, lr;
	s5 =	simm.s32 $0xFFFFFFFF;
	p2 =	slt.u32 s8, $0xFFFFF086  }
0x1c: {  	p1 =	slt.u32 s9, $0xF7A;
	s5 =	simm.s32 @!p2 $0x0  }
0x1d: {  	s5 =	simm.s32 @p1 $0x1;
	p0 =	seq.s32 s7, s2  }
0x1e: {  	s7 =	smul.u32 @!p0 $0xF7A, s2;
	p2 =	seq.s32 @!p0 s5, $0x0  }
0x1f: {  	s9 =	smul.u32 $0xF7A, s1;
	s8 =	simm.s32 @!p0 $0x1BF5;
	p2 =	por !p2, p0  }
0x20: {  	[sflag:s8] =	ssyncset.s32 @!p0 $0xFFFFF086;
	s6 =	sadd.s32 @!p0 s3, s7;
	s7 =	simm.s32 @!p0 $0x108  }
0x21: {  	s3 =	sadd.s32 s3, s9;
	s6 =	sadd.s32 @!p0 $0x88, s6;
	s7 =	simm.s32 @p2 $0x1082  }
0x22: {  	[simem:s7], [sflag:s8] =	dma.local @!p0 [hbm:s6], $0xF7A  }
0x23: {  	s9 =	sor.u32 $0xD0000000, s2;
	s6 =	simm.s32 $0x108;
	_ =	swait.ge @!p0 [sflag:s8], $0x0  }
0x24: {  	s3 =	sadd.s32 $0x88, s3;
	s6 =	simm.s32 @!p1 $0x1082;
	[sflag:s4] =	ssyncset.s32 $0xFFFFF086  }
0x25: {  	[simem:s6], [sflag:s4] =	dma.local [hbm:s3], $0xF7A  }
0x26: {  	[smem:$0x3F9A] =	sst s1;
	(tag) =	ssettag s2;
	_ =	strace s9  }
0x27: {  	s1 =	sld [smem:$0x3FAA]  }
0x28: {  	s2 =	sld [smem:$0x3FAB]  }
0x29: {  	s4 =	sld [smem:$0x3FAD]  }
0x2a: {  	p0 =	seq.s32 s5, $0x0;
	s5 =	sld [smem:$0x3FAE]  }
0x2b: {  	s6 =	sld [smem:$0x3FAF]  }
0x2c: {  	s7 =	sld [smem:$0x3FB0]  }
0x2d: {  	s3 =	simm.s32 $0x108;
	s8 =	sld [smem:$0x3FB1]  }
0x2e: {  	s3 =	simm.s32 @!p0 $0x1082;
	s9 =	sld [smem:$0x3FB2]  }
0x2f: {  	lr =	sadd.s32 s0, s3;
	s0 =	sld [smem:$0x3FA9]  }
0x30: {  	s3 =	sld [smem:$0x3FAC]  }
0x31: {  	[smem:$0x3FB5] =	sst s10  }
0x32: {  	s10 =	sld [smem:$0x3FB3];
	_ =	sdelay $0x3  }
0x33: {  	p0 =	seq.s32 s10, $0x1;
	s10 =	sld [smem:$0x3FB5];
	_ =	sdelay $0x3  }
0x34: {  	[smem:$0x3FB5] =	sst s10  }
0x35: {  	s10 =	sld [smem:$0x3FB4];
	_ =	sdelay $0x3  }
0x36: {  	p1 =	seq.s32 s10, $0x1;
	s10 =	sld [smem:$0x3FB5];
	_ =	sdelay $0x3  }
0x37: {  	[smem:$0x3FB5] =	sst s10  }
0x38: {  	s10 =	sld [smem:$0x3FB6]  }
0x39: {  	_ = 	snop;
	(pc) =	sbr.ind lr, $3  }
0x3a: {  	_ = 	snop  }
0x3b: {  	_ = 	snop  }
0x3c: {  	p2 =	seq.s32 s10, $0x1;
	s10 =	sld [smem:$0x3FB5]  }
0x3d: {  	_ =	shalt  }
0x3e: {  	_ =	shalt  }
0x3f: {  	_ =	shalt  }
0x40: {  	_ =	shalt  }
0x41: {  	_ =	shalt  }
0x42: {  	_ =	shalt  }
0x43: {  	_ =	shalt  }
0x44: {  	_ =	shalt  }
0x45: {  	_ =	shalt  }
0x46: {  	_ =	shalt  }
0x47: {  	_ =	shalt  }
0x48: {  	_ =	shalt  }
0x49: {  	_ =	shalt  }
0x4a: {  	_ =	shalt  }
0x4b: {  	_ =	shalt  }
0x4c: {  	_ =	shalt  }
0x4d: {  	_ =	shalt  }
0x4e: {  	_ =	shalt  }
0x4f: {  	_ =	shalt  }
0x50: {  	_ =	shalt  }
0x51: {  	_ =	shalt  }
0x52: {  	_ =	shalt  }
0x53: {  	_ =	shalt  }
0x54: {  	_ =	shalt  }
0x55: {  	_ =	shalt  }
0x56: {  	_ =	shalt  }
0x57: {  	_ =	shalt  }
0x58: {  	_ =	shalt  }
0x59: {  	_ =	shalt  }
0x5a: {  	_ =	shalt  }
0x5b: {  	_ =	shalt  }
0x5c: {  	_ =	shalt  }
0x5d: {  	_ =	shalt  }
0x5e: {  	_ =	shalt  }
0x5f: {  	_ =	shalt  }
0x60: {  	_ =	shalt  }
0x61: {  	_ =	shalt  }
0x62: {  	_ =	shalt  }
0x63: {  	_ =	shalt  }
0x64: {  	_ =	shalt  }
0x65: {  	_ =	shalt  }
0x66: {  	_ =	shalt  }
0x67: {  	_ =	shalt  }
0x68: {  	_ =	shalt  }
0x69: {  	_ =	shalt  }
0x6a: {  	_ =	shalt  }
0x6b: {  	_ =	shalt  }
0x6c: {  	_ =	shalt  }
0x6d: {  	_ =	shalt  }
0x6e: {  	_ =	shalt  }
0x6f: {  	_ =	shalt  }
0x70: {  	_ =	shalt  }
0x71: {  	_ =	shalt  }
0x72: {  	_ =	shalt  }
0x73: {  	_ =	shalt  }
0x74: {  	_ =	shalt  }
0x75: {  	_ =	shalt  }
0x76: {  	_ =	shalt  }
0x77: {  	_ =	shalt  }
0x78: {  	_ =	shalt  }
0x79: {  	_ =	shalt  }
0x7a: {  	_ =	shalt  }
0x7b: {  	_ =	shalt  }
0x7c: {  	_ =	shalt  }
0x7d: {  	_ =	shalt  }
0x7e: {  	_ =	shalt  }
0x7f: {  	_ =	shalt  }
0x80: {  	_ =	shalt  }
0x81: {  	_ =	shalt  }
0x82: {  	_ =	shalt  }
0x83: {  	_ =	shalt  }
0x84: {  	_ =	shalt  }
0x85: {  	_ =	shalt  }
0x86: {  	_ =	shalt  }
0x87: {  	_ =	shalt  }
.Lfunc_end0:
.L_simem_size_0:
called_computation_lowered:
.L_overlay_start_0:
0x88: {  	s2 =	sld [smem:$0x3FD9]  }
0x89: {  	s3 =	sld [smem:$0x3FFE];
	_ =	sdelay $0x1  }
0x8a: {  	s1 =	srdreg.scid  }
0x8b: {  	s0 =	sand.u32 $0x1, s1  }
0x8c: {  	s17 =	sshll.u32 s0, $0xA;
	s2 =	sadd.s32 s3, s2  }
0x8d: {  	s2 =	sadd.s32 s2, s17  }
0x8e: {  	[smem:$0x3FC1] =	sst s2  }
0x8f: {  	_ = 	snop  }
0x90: {  	s2 =	sld [smem:$0x3FC9]  }
0x91: {  	s18 =	sld [smem:$0x3FD0];
	(tm) =	ssettm $0x1  }
0x92: {  	s4 =	sld [smem:$0x3FFB];
	_ =	sdelay $0x3  }
0x93: {  	_ =	strace s4  }
0x94: {  	s4 =	sld [smem:$0x3FFC];
	_ =	sdelay $0x3  }
0x95: {  	_ =	strace s4  }
0x96: {  	s4 =	sld [smem:$0x3FFD];
	_ =	sdelay $0x3  }
0x97: {  	_ =	strace s4  }
0x98: {  	_ =	strace $0x8FFFFFFF  }
0x99: {  	s19 =	sld [smem:$0x3FDB];
	_ =	sdelay $0x1  }
0x9a: {  	s5 =	simm.s32 $_scs_section_size  }
0x9b: {  	s6 =	simm.s32 $_size__tile_overlayer_lowered;
	s7 =	simm.s32 $_tile_overlayer_lowered  }
0x9c: {  	s22 =	simm.s32 $0x1BFF;
	s21 =	sshll.u32 s7, $0x1;
	s4 =	sadd.s32 s5, s19  }
0x9d: {  	s8 =	simm.s32 $0x0;
	s20 =	sshll.u32 s6, $0x1;
	s6 =	sadd.s32 s21, s4  }
0x9e: {  	[timem:s8], [sflag:s22] =	dma.local [hbm:s6], s20  }
0x9f: {  	_ =	swait.ge [sflag:s22], s20  }
0xa0: {  	s5 =	ssub.s32 $0x0, s20;
	[sflag:s22] =	ssyncset.done $0x0  }
0xa1: {  	[sflag:s22] =	ssyncadd.s32 s5;
	_ =	sdelay $0x1  }
0xa2: {  	s23 =	simm.s32 $0x1B8B  }
0xa3: {  	_ =	swait.ge [sflag:s23], $0x1  }
0xa4: {  	[sflag:s23] =	ssyncset.done $0x0  }
0xa5: {  	s25 =	simm.s32 $0x1B8E;
	s24 =	sld [smem:$0x3FFE];
	[sflag:s23] =	ssyncadd.s32 $0xFFFFFFFF  }
0xa6: {  	s26 =	simm.s32 $execute0_lowered;
	[smem:$0x3FD2] =	sst s25  }
0xa7: {  	s6 =	sshll.u32 s26, $0x1;
	_ =	strace $0x80000046;
	[dreg:$0x1] =	wrdreg $0xFFFFFFFF  }
0xa8: {  	s28 =	simm.s32 $_size_execute0_lowered;
	s4 =	sadd.s32 s4, s6;
	[dreg:$0x0] =	wrdreg $0x0  }
0xa9: {  	s6 =	sshll.u32 s28, $0x1;
	[dreg:$0x2] =	wrdreg s4  }
0xaa: {  	[dreg:$0x3] =	wrdreg s6  }
0xab: {  	[dreg:$0x4] =	wrdreg $0xC0  }
0xac: {  	_ =	task [dreg:s8], $0x5FFFF  }
0xad: {  	[dreg:$0x1] =	wrdreg $0xFFFFFFFF  }
0xae: {  	[dreg:$0x0] =	wrdreg $0x60  }
0xaf: {  	[dreg:$0x2] =	wrdreg s2  }
0xb0: {  	[dreg:$0x3] =	wrdreg s24  }
0xb1: {  	[dreg:$0x4] =	wrdreg s18  }
0xb2: {  	[dreg:$0x5] =	wrdreg $0x9  }
0xb3: {  	_ =	task.clear_ibuf [dreg:s8], $0x6FFFF;
	_ =	strace $0x90000046  }
0xb4: {  	s29 =	simm.s32 $0x9;
	_ =	strace $0x80000048  }
0xb5: {  	_ =	swait.ge [sflag:s29], $0x1  }
0xb6: {  	[sflag:s29] =	ssyncadd.s32 $0xFFFFFFFF  }
0xb7: {  	_ =	strace $0x90000048  }
0xb8: {  	_ =	sfence  }
0xb9: {  	s30 =	sld [smem:$0x0];
	_ =	sdelay $0x2  }
0xba: {  	s31 =	sshll.u32 s1, $0xD;
	s1 =	sshrl.u32 s1, $0x2  }
0xbb: {  	s3 =	sand.u32 $0x4000, s31;
	s1 =	sadd.s32 s1, s30  }
0xbc: {  	s0 =	sor.u32 s3, s0;
	s1 =	sshll.u32 s1, $0x11  }
0xbd: {  	s0 =	sor.u32 s1, s0  }
0xbe: {  	s0 =	sadd.s32 $0x8F2B, s0  }
0xbf: {  	[sflag:s0] =	ssyncadd.remote.s32 $0x1  }
0xc0: {  	_ =	sfence.sel $0xFFFF  }
0xc1: {  	[dreg:$0x0] =	wrdreg $0xFFFFFFFF;
	(pc) =	sbr.abs _section_cstart, $3  }
0xc2: {  	[dreg:$0x1] =	wrdreg $0xFFFFFFFF  }
0xc3: {  	_ =	task.clear_ibuf [dreg:s8], $0x2FFFF;
	_ =	strace $0x9FFFFFFF  }
0xc4: {  	(tm) =	ssettm $0x7FFFFFFF  }
0xc5: {  	_ =	shalt  }
tec
execute0_lowered:
.L_overlay_start_1:
0x0: {  	(tag) =	ssettag $0x1  }
0x1: {  	s0 =	rddreg [dreg:$0x0]  }
0x2: {  	s1 =	rddreg [dreg:$0x1];
	s2 =	srdreg.scid;
	s3 =	simm.s32 $0x0  }
0x3: {  	s4 =	stileid.u32;
	s11 =	simm.s32 $0x100;
	s13 =	simm.s32 $0x1  }
0x4: {  	s14 =	simm.s32 $0x2;
	s25 =	simm.s32 $0x5900;
	s28 =	simm.s32 $0x6900  }
0x5: {  	s29 =	simm.s32 $0x7100;
	s30 =	simm.s32 $0x7900;
	s31 =	simm.s32 $0x8100  }
0x6: {  	s12 =	simm.s32 $0xA100;
	s15 =	simm.s32 $0xA900;
	s16 =	simm.s32 $0xB100  }
0x7: {  	s17 =	simm.s32 $0xB900;
	s18 =	simm.s32 $0x3;
	s19 =	simm.s32 $0x40  }
0x8: {  	s20 =	simm.s32 $0xC100;
	s21 =	simm.s32 $0x0;
	s2 =	sand.u32 $0x1, s2  }
0x9: {  	[smem:$0x7FF] =	sst s3;
	s4 =	sshll.u32 s4, $0x4;
	s8 =	sadd.s32 $0x2500, s1  }
0xa: {  	s9 =	sadd.s32 $0x2600, s1;
	s5 =	sshll.u32 s2, $0x3;
	s2 =	ssub.s32 $0x2, s2  }
0xb: {  	_ =	strace $0x80000047;
	s4 =	sor.u32 s5, s4;
	s26 =	sshrl.u32 s2, $0x1  }
0xc: {  	s7 =	sadd.s32 s4, s1;
	s6 =	smul.u32 $0x300, s4;
	s4 =	sadd.s32 $0x2400, s1  }
0xd: {  	v2 =	vlaneseq.u32;
	s2 =	ssub.s32 s2, s26;
	s26 =	simm.s32 $0x6100;
	s1 =	simm.s32 $0x9100  }
0xe: {  	vm0 =	vmmov $0xffff;
	v1 =	vshrl.u32 v2, $0x3;
	s5 =	sadd.s32 $0x1C00, s7;
	s7 =	sadd.s32 $0x1E00, s7;
	s10 =	smax.u32 s2, $0x1  }
0xf: {  	v0 =	vand.u32 $0x7, v2;
	v2 =	vor.u32 $0x8, v2;
	v1 =	vmul.u32 $0x8, v1;
	s2 =	simm.s32 $0x9900;
	s6 =	sadd.s32 s0, s6;
	s0 =	simm.s32 $0x8900  }
.LBB2_1:
0x10: {  	[tilespmem:s3], [sflag:$0x1] =	stream.linear.gather [hbm4b:s5+s3], $0x40, $0x38;
	[tilespmem:$0xE100] =	vst v63  }
0x11: {  	_ = 	snop  }
0x12: {  	[tilespmem:s11], [sflag:$0x2] =	stream.linear.gather [hbm4b:s6+s3], $0xC000, $0x38;
	[tilespmem:$0xE100] =	vst v63  }
0x13: {  	s22 =	simm.s32 $0x80  }
0x14: {  	[tilespmem:s22], [sflag:$0x3] =	stream.linear.gather [hbm4b:s7+s3], $0x40, $0x38;
	[tilespmem:$0xE100] =	vst v63  }
0x15: {  	_ =	swait.ge [sflag:s13], $0x40  }
0x16: {  	[sflag:s13] =	ssyncset.done $0x0  }
0x17: {  	[sflag:s13] =	ssyncadd.s32 $0xFFFFFFC0  }
0x18: {  	_ =	swait.ge [sflag:s14], $0xC000  }
0x19: {  	[sflag:s14] =	ssyncset.done $0x0  }
0x1a: {  	[sflag:s14] =	ssyncadd.s32 $0xFFFF4000  }
0x1b: {  	v3 =	vld [tilespmem:$0x0];
	_ =	sdelay $0x4  }
0x1c: {  	v4 =	vshrl.u32 v3, $0x3  }
0x1d: {  	v4 =	vmul.u32 $0x30, v4  }
0x1e: {  	v3 =	vand.u32 $0x7, v3  }
0x1f: {  	v3 =	vor.u32 v3, v4  }
0x20: {  	v4 =	vperm.xlane v3, v0;
	_ =	sdelay $0x1  }
0x21: {  	v4 =	vadd.s32 v1, v4;
	_ =	sdelay $0x3  }
0x22: {  	v3 =	vperm.xlane v3, v2  }
0x23: {  	[hbm4b:s4+s3] =	stream.indirect_vreg.scatter [tilespmem:s11], [sflag:$0x2], $0x80, v4, vm0, $0xb8;
	[tilespmem:$0xE100] =	vst v63  }
0x24: {  	s24 =	simm.s32 $0x900;
	v3 =	vadd.s32 v1, v3  }
0x25: {  	[hbm4b:s8+s3] =	stream.indirect_vreg.scatter [tilespmem:s24], [sflag:$0x2], $0x80, v4, vm0, $0xb8;
	[tilespmem:$0xE100] =	vst v63  }
0x26: {  	s23 =	simm.s32 $0x1100  }
0x27: {  	[hbm4b:s9+s3] =	stream.indirect_vreg.scatter [tilespmem:s23], [sflag:$0x2], $0x80, v4, vm0, $0xb8;
	[tilespmem:$0xE100] =	vst v63  }
0x28: {  	s24 =	simm.s32 $0x1900  }
0x29: {  	[hbm4b:s4+s3] =	stream.indirect_vreg.scatter [tilespmem:s24], [sflag:$0x2], $0x80, v3, vm0, $0xb8;
	[tilespmem:$0xE100] =	vst v63  }
0x2a: {  	s23 =	simm.s32 $0x2100  }
0x2b: {  	[hbm4b:s8+s3] =	stream.indirect_vreg.scatter [tilespmem:s23], [sflag:$0x2], $0x80, v3, vm0, $0xb8;
	[tilespmem:$0xE100] =	vst v63  }
0x2c: {  	s24 =	simm.s32 $0x2900  }
0x2d: {  	[hbm4b:s9+s3] =	stream.indirect_vreg.scatter [tilespmem:s24], [sflag:$0x2], $0x80, v3, vm0, $0xb8;
	[tilespmem:$0xE100] =	vst v63  }
0x2e: {  	v3 =	vld [tilespmem:$0x10];
	_ =	sdelay $0x4  }
0x2f: {  	v48 =	vshrl.u32 v3, $0x3  }
0x30: {  	v4 =	vmul.u32 $0x30, v48  }
0x31: {  	v3 =	vand.u32 $0x7, v3  }
0x32: {  	v3 =	vor.u32 v3, v4  }
0x33: {  	v4 =	vperm.xlane v3, v0;
	_ =	sdelay $0x1  }
0x34: {  	v4 =	vadd.s32 v1, v4;
	_ =	sdelay $0x3  }
0x35: {  	s23 =	simm.s32 $0x3100;
	v3 =	vperm.xlane v3, v2  }
0x36: {  	[hbm4b:s4+s3] =	stream.indirect_vreg.scatter [tilespmem:s23], [sflag:$0x2], $0x80, v4, vm0, $0xb8;
	[tilespmem:$0xE100] =	vst v63  }
0x37: {  	s24 =	simm.s32 $0x3900;
	v3 =	vadd.s32 v1, v3  }
0x38: {  	[hbm4b:s8+s3] =	stream.indirect_vreg.scatter [tilespmem:s24], [sflag:$0x2], $0x80, v4, vm0, $0xb8;
	[tilespmem:$0xE100] =	vst v63  }
0x39: {  	s23 =	simm.s32 $0x4100  }
0x3a: {  	[hbm4b:s9+s3] =	stream.indirect_vreg.scatter [tilespmem:s23], [sflag:$0x2], $0x80, v4, vm0, $0xb8;
	[tilespmem:$0xE100] =	vst v63  }
0x3b: {  	s24 =	simm.s32 $0x4900  }
0x3c: {  	[hbm4b:s4+s3] =	stream.indirect_vreg.scatter [tilespmem:s24], [sflag:$0x2], $0x80, v3, vm0, $0xb8;
	[tilespmem:$0xE100] =	vst v63  }
0x3d: {  	s23 =	simm.s32 $0x5100  }
0x3e: {  	[hbm4b:s8+s3] =	stream.indirect_vreg.scatter [tilespmem:s23], [sflag:$0x2], $0x80, v3, vm0, $0xb8;
	[tilespmem:$0xE100] =	vst v63  }
0x3f: {  	_ = 	snop  }
0x40: {  	[hbm4b:s9+s3] =	stream.indirect_vreg.scatter [tilespmem:s25], [sflag:$0x2], $0x80, v3, vm0, $0xb8;
	[tilespmem:$0xE100] =	vst v63  }
0x41: {  	v3 =	vld [tilespmem:$0x20];
	_ =	sdelay $0x4  }
0x42: {  	v49 =	vshrl.u32 v3, $0x3  }
0x43: {  	v4 =	vmul.u32 $0x30, v49  }
0x44: {  	v3 =	vand.u32 $0x7, v3  }
0x45: {  	v3 =	vor.u32 v3, v4  }
0x46: {  	v4 =	vperm.xlane v3, v0;
	_ =	sdelay $0x1  }
0x47: {  	v4 =	vadd.s32 v1, v4;
	_ =	sdelay $0x3  }
0x48: {  	v3 =	vperm.xlane v3, v2  }
0x49: {  	[hbm4b:s4+s3] =	stream.indirect_vreg.scatter [tilespmem:s26], [sflag:$0x2], $0x80, v4, vm0, $0xb8;
	[tilespmem:$0xE100] =	vst v63  }
0x4a: {  	v3 =	vadd.s32 v1, v3  }
0x4b: {  	[hbm4b:s8+s3] =	stream.indirect_vreg.scatter [tilespmem:s28], [sflag:$0x2], $0x80, v4, vm0, $0xb8;
	[tilespmem:$0xE100] =	vst v63  }
0x4c: {  	_ = 	snop  }
0x4d: {  	[hbm4b:s9+s3] =	stream.indirect_vreg.scatter [tilespmem:s29], [sflag:$0x2], $0x80, v4, vm0, $0xb8;
	[tilespmem:$0xE100] =	vst v63  }
0x4e: {  	_ = 	snop  }
0x4f: {  	[hbm4b:s4+s3] =	stream.indirect_vreg.scatter [tilespmem:s30], [sflag:$0x2], $0x80, v3, vm0, $0xb8;
	[tilespmem:$0xE100] =	vst v63  }
0x50: {  	_ = 	snop  }
0x51: {  	[hbm4b:s8+s3] =	stream.indirect_vreg.scatter [tilespmem:s31], [sflag:$0x2], $0x80, v3, vm0, $0xb8;
	[tilespmem:$0xE100] =	vst v63  }
0x52: {  	_ = 	snop  }
0x53: {  	[hbm4b:s9+s3] =	stream.indirect_vreg.scatter [tilespmem:s0], [sflag:$0x2], $0x80, v3, vm0, $0xb8;
	[tilespmem:$0xE100] =	vst v63  }
0x54: {  	v3 =	vld [tilespmem:$0x30];
	_ =	sdelay $0x4  }
0x55: {  	v50 =	vshrl.u32 v3, $0x3  }
0x56: {  	v4 =	vmul.u32 $0x30, v50  }
0x57: {  	v3 =	vand.u32 $0x7, v3  }
0x58: {  	v3 =	vor.u32 v3, v4  }
0x59: {  	v4 =	vperm.xlane v3, v0;
	_ =	sdelay $0x1  }
0x5a: {  	v4 =	vadd.s32 v1, v4;
	_ =	sdelay $0x3  }
0x5b: {  	v3 =	vperm.xlane v3, v2  }
0x5c: {  	[hbm4b:s4+s3] =	stream.indirect_vreg.scatter [tilespmem:s1], [sflag:$0x2], $0x80, v4, vm0, $0xb8;
	[tilespmem:$0xE100] =	vst v63  }
0x5d: {  	v3 =	vadd.s32 v1, v3  }
0x5e: {  	[hbm4b:s8+s3] =	stream.indirect_vreg.scatter [tilespmem:s2], [sflag:$0x2], $0x80, v4, vm0, $0xb8;
	[tilespmem:$0xE100] =	vst v63  }
0x5f: {  	_ = 	snop  }
0x60: {  	[hbm4b:s9+s3] =	stream.indirect_vreg.scatter [tilespmem:s12], [sflag:$0x2], $0x80, v4, vm0, $0xb8;
	[tilespmem:$0xE100] =	vst v63  }
0x61: {  	_ = 	snop  }
0x62: {  	[hbm4b:s4+s3] =	stream.indirect_vreg.scatter [tilespmem:s15], [sflag:$0x2], $0x80, v3, vm0, $0xb8;
	[tilespmem:$0xE100] =	vst v63  }
0x63: {  	_ = 	snop  }
0x64: {  	[hbm4b:s8+s3] =	stream.indirect_vreg.scatter [tilespmem:s16], [sflag:$0x2], $0x80, v3, vm0, $0xb8;
	[tilespmem:$0xE100] =	vst v63  }
0x65: {  	_ = 	snop  }
0x66: {  	[hbm4b:s9+s3] =	stream.indirect_vreg.scatter [tilespmem:s17], [sflag:$0x2], $0x80, v3, vm0, $0xb8;
	[tilespmem:$0xE100] =	vst v63  }
0x67: {  	_ =	swait.ge [sflag:s18], $0x40  }
0x68: {  	[sflag:s18] =	ssyncset.done $0x0  }
0x69: {  	s24 =	simm.s32 $0x0;
	[sflag:s18] =	ssyncadd.s32 $0xFFFFFFC0  }
0x6a: {  	v3 =	vld [tilespmem:s24+$0x80];
	_ =	sdelay $0x4  }
0x6b: {  	v51 =	vbroadcast v3, $0x0  }
0x6c: {  	s22 =	simm.s32 $0xC500;
	v5 =	vbroadcast v3, $0x1  }
0x6d: {  	v6 =	vbroadcast v3, $0x2;
	[tilespmem:s22+$0xFFFFFC00] =	vst v51  }
0x6e: {  	v52 =	vbroadcast v3, $0x3;
	[tilespmem:s22+$0xFFFFFC80] =	vst v5  }
0x6f: {  	v53 =	vbroadcast v3, $0x4;
	[tilespmem:s22+$0xFFFFFD00] =	vst v6  }
0x70: {  	v54 =	vbroadcast v3, $0x5;
	[tilespmem:s22+$0xFFFFFD80] =	vst v52  }
0x71: {  	v55 =	vbroadcast v3, $0x6;
	[tilespmem:s22+$0xFFFFFE00] =	vst v53  }
0x72: {  	v56 =	vbroadcast v3, $0x7;
	[tilespmem:s22+$0xFFFFFE80] =	vst v54  }
0x73: {  	v57 =	vbroadcast v3, $0x8;
	[tilespmem:s22+$0xFFFFFF00] =	vst v55  }
0x74: {  	v58 =	vbroadcast v3, $0x9;
	[tilespmem:s22+$0xFFFFFF80] =	vst v56  }
0x75: {  	v59 =	vbroadcast v3, $0xA;
	[tilespmem:s22+$0x0] =	vst v57  }
0x76: {  	v60 =	vbroadcast v3, $0xB;
	[tilespmem:s22+$0x80] =	vst v58  }
0x77: {  	v61 =	vbroadcast v3, $0xC;
	[tilespmem:s22+$0x100] =	vst v59  }
0x78: {  	v62 =	vbroadcast v3, $0xD;
	[tilespmem:s22+$0x180] =	vst v60  }
0x79: {  	v63 =	vbroadcast v3, $0xE;
	[tilespmem:s22+$0x200] =	vst v61  }
0x7a: {  	v3 =	vbroadcast v3, $0xF;
	[tilespmem:s22+$0x280] =	vst v62  }
0x7b: {  	[tilespmem:s22+$0x300] =	vst v63  }
0x7c: {  	s23 =	simm.s32 $0x80;
	s24 =	simm.s32 $0x10;
	[tilespmem:s22+$0x380] =	vst v3  }
.LBB2_2:
0x7d: {  	p0 =	sne.s32 s23, $0xC0;
	v3 =	vld [tilespmem:s24+$0x80];
	_ =	sdelay $0x4  }
0x7e: {  	v4 =	vbroadcast v3, $0x0;
	v5 =	vbroadcast v3, $0x1  }
0x7f: {  	s22 =	sadd.s32 $0x800, s22;
	v6 =	vbroadcast v3, $0x2;
	v7 =	vbroadcast v3, $0x3  }
0x80: {  	v8 =	vbroadcast v3, $0x5;
	[tilespmem:s22+$0xFFFFFC00] =	vst v4;
	v4 =	vbroadcast v3, $0x4  }
0x81: {  	v9 =	vbroadcast v3, $0x7;
	[tilespmem:s22+$0xFFFFFC80] =	vst v5;
	v5 =	vbroadcast v3, $0x6  }
0x82: {  	v10 =	vbroadcast v3, $0x9;
	[tilespmem:s22+$0xFFFFFD00] =	vst v6;
	v6 =	vbroadcast v3, $0x8  }
0x83: {  	v11 =	vbroadcast v3, $0xB;
	[tilespmem:s22+$0xFFFFFD80] =	vst v7;
	v7 =	vbroadcast v3, $0xA  }
0x84: {  	v12 =	vbroadcast v3, $0xD;
	[tilespmem:s22+$0xFFFFFE00] =	vst v4;
	v4 =	vbroadcast v3, $0xC  }
0x85: {  	[tilespmem:s22+$0xFFFFFE80] =	vst v8;
	v8 =	vbroadcast v3, $0xE;
	v3 =	vbroadcast v3, $0xF  }
0x86: {  	[tilespmem:s22+$0xFFFFFF00] =	vst v5  }
0x87: {  	[tilespmem:s22+$0xFFFFFF80] =	vst v9  }
0x88: {  	[tilespmem:s22+$0x0] =	vst v6  }
0x89: {  	[tilespmem:s22+$0x80] =	vst v10  }
0x8a: {  	[tilespmem:s22+$0x100] =	vst v7  }
.Ltmp0:
0x8b: {  	[tilespmem:s22+$0x180] =	vst v11;
	(pc) =	sbr.rel @p0 .LBB2_2-.Ltmp0, $4  }
0x8c: {  	[tilespmem:s22+$0x200] =	vst v4  }
0x8d: {  	[tilespmem:s22+$0x280] =	vst v12  }
0x8e: {  	[tilespmem:s22+$0x300] =	vst v8  }
0x8f: {  	s24 =	sshra.s32 s23, $0x2;
	s23 =	sadd.s32 $0x40, s23;
	[tilespmem:s22+$0x380] =	vst v3  }
0x90: {  	v3 =	vld [tilespmem:s24+$0x80];
	_ =	sdelay $0x4  }
0x91: {  	v4 =	vbroadcast v3, $0x0  }
0x92: {  	s22 =	sadd.s32 $0x800, s22;
	v5 =	vbroadcast v3, $0x1  }
0x93: {  	v6 =	vbroadcast v3, $0x2;
	[tilespmem:s22+$0xFFFFFC00] =	vst v4  }
0x94: {  	v52 =	vbroadcast v3, $0x3;
	[tilespmem:s22+$0xFFFFFC80] =	vst v5  }
0x95: {  	v53 =	vbroadcast v3, $0x4;
	[tilespmem:s22+$0xFFFFFD00] =	vst v6  }
0x96: {  	v54 =	vbroadcast v3, $0x5;
	[tilespmem:s22+$0xFFFFFD80] =	vst v52  }
0x97: {  	v55 =	vbroadcast v3, $0x6;
	[tilespmem:s22+$0xFFFFFE00] =	vst v53  }
0x98: {  	v56 =	vbroadcast v3, $0x7;
	[tilespmem:s22+$0xFFFFFE80] =	vst v54  }
0x99: {  	v57 =	vbroadcast v3, $0x8;
	[tilespmem:s22+$0xFFFFFF00] =	vst v55  }
0x9a: {  	v58 =	vbroadcast v3, $0x9;
	[tilespmem:s22+$0xFFFFFF80] =	vst v56  }
0x9b: {  	v59 =	vbroadcast v3, $0xA;
	[tilespmem:s22+$0x0] =	vst v57  }
0x9c: {  	v60 =	vbroadcast v3, $0xB;
	[tilespmem:s22+$0x80] =	vst v58  }
0x9d: {  	v61 =	vbroadcast v3, $0xC;
	[tilespmem:s22+$0x100] =	vst v59  }
0x9e: {  	v62 =	vbroadcast v3, $0xD;
	[tilespmem:s22+$0x180] =	vst v60  }
0x9f: {  	v63 =	vbroadcast v3, $0xE;
	[tilespmem:s22+$0x200] =	vst v61  }
0xa0: {  	v3 =	vbroadcast v3, $0xF;
	[tilespmem:s22+$0x280] =	vst v62  }
0xa1: {  	[tilespmem:s22+$0x300] =	vst v63  }
0xa2: {  	s24 =	rddreg [dreg:$0x2];
	s21 =	sadd.s32 $0x1, s21;
	[tilespmem:s22+$0x380] =	vst v3  }
0xa3: {  	[hbm4b:s24+s19] =	stream.indirect.scatter [tilespmem:s20], [sflag:$0x3], $0x80, s3, s19, $0xb8;
	[tilespmem:$0xE100] =	vst v63  }
0xa4: {  	p0 =	sne.s32 s21, s10;
	_ =	swait.ge [sflag:s18], $0x2000  }
.Ltmp1:
0xa5: {  	[sflag:s18] =	ssyncset.done $0x0;
	(pc) =	sbr.rel @p0 .LBB2_1-.Ltmp1, $4  }
0xa6: {  	[sflag:s18] =	ssyncadd.s32 $0xFFFFE000  }
0xa7: {  	_ =	swait.ge [sflag:s14], $0xC000  }
0xa8: {  	[sflag:s14] =	ssyncset.done $0x0  }
0xa9: {  	[sflag:s14] =	ssyncadd.s32 $0xFFFF4000  }
0xaa: {  	_ =	sfence.sel $0x180000  }
0xab: {  	[bflag:$0x0] =	sbarrier.arrive $0xFFFF  }
0xac: {  	_ =	strace $0x90000047  }
0xad: {  	s0 =	stileid.u32;
	[bflag:$0x2] =	sbarrier.arrive $0xFFFF  }
0xae: {  	p0 =	sne.s32 s0, $0x0;
	s0 =	rddreg [dreg:$0x3]  }
0xaf: {  	s0 =	sadd.s32 @!p0 $0x100000, s0  }
0xb0: {  	[sflag:s0] =	ssyncadd.tile.s32 @!p0 $0x1;
	_ =	shalt  }
.Lfunc_end2:
_tile_overlayer_lowered:
.L_overlay_start_2:
0xb1: {  	(tag) =	ssettag $0x2  }
0xb2: {  	s0 =	rddreg [dreg:$0x0];
	s2 =	stileid.u32  }
0xb3: {  	s1 =	rddreg [dreg:$0x1];
	p0 =	sne.s32 s2, $0x0  }
0xb4: {  	s3 =	rddreg [dreg:$0x2];
	[bflag:$0x3] =	sbarrier.arrive $0xFFFF;
	s2 =	simm.s32 @!p0 $0x1C04  }
0xb5: {  	[timem:s3], [sflag:s2] =	dma.local @!p0 [hbm:s0], s1  }
0xb6: {  	s0 =	simm.s32 @!p0 $0x4  }
0xb7: {  	_ =	swait.ge @!p0 [sflag:s0], s1  }
0xb8: {  	s1 =	ssub.s32 @!p0 $0x0, s1;
	[sflag:s0] =	ssyncset.done @!p0 $0x0  }
0xb9: {  	[sflag:s0] =	ssyncadd.s32 @!p0 s1  }
0xba: {  	[bflag:$0x3] =	sbarrier.arrive $0xFFFF  }
0xbb: {  	_ =	shalt  }

// kernel: kernel.9.cloned.1.call-start
scs
__scs_entry_jumppad:
0x0: {  	(pc) =	sbr.rel $0x88, $3  }
0x1: {  	(tag) =	ssettag $0x0;
	lr =	simm.s32 $0x1  }
0x2: {  	[smem:$0x3F9A] =	sst lr;
	_ =	strace $0xD0000000  }
0x3: {  	_ = 	snop  }
0x4: {  	_ = 	snop  }
0x5: {  	_ = 	snop  }
0x6: {  	_ = 	snop  }
0x7: {  	_ = 	snop  }
__scs_overlays_trampoline_lowered:
0x8: {  	[smem:$0x3FA9] =	sst s0  }
0x9: {  	[smem:$0x3FAA] =	sst s1  }
0xa: {  	[smem:$0x3FAB] =	sst s2  }
0xb: {  	[smem:$0x3FAC] =	sst s3  }
0xc: {  	[smem:$0x3FAD] =	sst s4  }
0xd: {  	[smem:$0x3FAE] =	sst s5  }
0xe: {  	[smem:$0x3FAF] =	sst s6  }
0xf: {  	[smem:$0x3FB0] =	sst s7  }
0x10: {  	[smem:$0x3FB1] =	sst s8  }
0x11: {  	[smem:$0x3FB2] =	sst s9;
	s0 =	simm.s32 @!p0 $0x0  }
0x12: {  	s1 =	sld [smem:$0x3F98];
	s0 =	simm.s32 @p0 $0x1  }
0x13: {  	[smem:$0x3FB3] =	sst s0;
	s0 =	simm.s32 @!p1 $0x0  }
0x14: {  	s2 =	sld [smem:$0x3F97];
	s0 =	simm.s32 @p1 $0x1  }
0x15: {  	[smem:$0x3FB4] =	sst s0;
	s0 =	simm.s32 @!p2 $0x0  }
0x16: {  	s3 =	sld [smem:$0x3FDB];
	s0 =	simm.s32 @p2 $0x1  }
0x17: {  	s4 =	simm.s32 $0x1BF5;
	[smem:$0x3FB6] =	sst s0  }
0x18: {  	s0 =	sld [smem:$0x3F99];
	_ =	swait.ge [sflag:s4], $0x0  }
0x19: {  	s7 =	sld [smem:$0x3F9A]  }
0x1a: {  	s8 =	sadd.s32 $0xFFFFE003, lr  }
0x1b: {  	s9 =	sadd.s32 $0xFFFFFEF7, lr;
	s5 =	simm.s32 $0xFFFFFFFF;
	p2 =	slt.u32 s8, $0xFFFFF086  }
0x1c: {  	p1 =	slt.u32 s9, $0xF7A;
	s5 =	simm.s32 @!p2 $0x0  }
0x1d: {  	s5 =	simm.s32 @p1 $0x1;
	p0 =	seq.s32 s7, s2  }
0x1e: {  	s7 =	smul.u32 @!p0 $0xF7A, s2;
	p2 =	seq.s32 @!p0 s5, $0x0  }
0x1f: {  	s9 =	smul.u32 $0xF7A, s1;
	s8 =	simm.s32 @!p0 $0x1BF5;
	p2 =	por !p2, p0  }
0x20: {  	[sflag:s8] =	ssyncset.s32 @!p0 $0xFFFFF086;
	s6 =	sadd.s32 @!p0 s3, s7;
	s7 =	simm.s32 @!p0 $0x108  }
0x21: {  	s3 =	sadd.s32 s3, s9;
	s6 =	sadd.s32 @!p0 $0x88, s6;
	s7 =	simm.s32 @p2 $0x1082  }
0x22: {  	[simem:s7], [sflag:s8] =	dma.local @!p0 [hbm:s6], $0xF7A  }
0x23: {  	s9 =	sor.u32 $0xD0000000, s2;
	s6 =	simm.s32 $0x108;
	_ =	swait.ge @!p0 [sflag:s8], $0x0  }
0x24: {  	s3 =	sadd.s32 $0x88, s3;
	s6 =	simm.s32 @!p1 $0x1082;
	[sflag:s4] =	ssyncset.s32 $0xFFFFF086  }
0x25: {  	[simem:s6], [sflag:s4] =	dma.local [hbm:s3], $0xF7A  }
0x26: {  	[smem:$0x3F9A] =	sst s1;
	(tag) =	ssettag s2;
	_ =	strace s9  }
0x27: {  	s1 =	sld [smem:$0x3FAA]  }
0x28: {  	s2 =	sld [smem:$0x3FAB]  }
0x29: {  	s4 =	sld [smem:$0x3FAD]  }
0x2a: {  	p0 =	seq.s32 s5, $0x0;
	s5 =	sld [smem:$0x3FAE]  }
0x2b: {  	s6 =	sld [smem:$0x3FAF]  }
0x2c: {  	s7 =	sld [smem:$0x3FB0]  }
0x2d: {  	s3 =	simm.s32 $0x108;
	s8 =	sld [smem:$0x3FB1]  }
0x2e: {  	s3 =	simm.s32 @!p0 $0x1082;
	s9 =	sld [smem:$0x3FB2]  }
0x2f: {  	lr =	sadd.s32 s0, s3;
	s0 =	sld [smem:$0x3FA9]  }
0x30: {  	s3 =	sld [smem:$0x3FAC]  }
0x31: {  	[smem:$0x3FB5] =	sst s10  }
0x32: {  	s10 =	sld [smem:$0x3FB3];
	_ =	sdelay $0x3  }
0x33: {  	p0 =	seq.s32 s10, $0x1;
	s10 =	sld [smem:$0x3FB5];
	_ =	sdelay $0x3  }
0x34: {  	[smem:$0x3FB5] =	sst s10  }
0x35: {  	s10 =	sld [smem:$0x3FB4];
	_ =	sdelay $0x3  }
0x36: {  	p1 =	seq.s32 s10, $0x1;
	s10 =	sld [smem:$0x3FB5];
	_ =	sdelay $0x3  }
0x37: {  	[smem:$0x3FB5] =	sst s10  }
0x38: {  	s10 =	sld [smem:$0x3FB6]  }
0x39: {  	_ = 	snop;
	(pc) =	sbr.ind lr, $3  }
0x3a: {  	_ = 	snop  }
0x3b: {  	_ = 	snop  }
0x3c: {  	p2 =	seq.s32 s10, $0x1;
	s10 =	sld [smem:$0x3FB5]  }
0x3d: {  	_ =	shalt  }
0x3e: {  	_ =	shalt  }
0x3f: {  	_ =	shalt  }
0x40: {  	_ =	shalt  }
0x41: {  	_ =	shalt  }
0x42: {  	_ =	shalt  }
0x43: {  	_ =	shalt  }
0x44: {  	_ =	shalt  }
0x45: {  	_ =	shalt  }
0x46: {  	_ =	shalt  }
0x47: {  	_ =	shalt  }
0x48: {  	_ =	shalt  }
0x49: {  	_ =	shalt  }
0x4a: {  	_ =	shalt  }
0x4b: {  	_ =	shalt  }
0x4c: {  	_ =	shalt  }
0x4d: {  	_ =	shalt  }
0x4e: {  	_ =	shalt  }
0x4f: {  	_ =	shalt  }
0x50: {  	_ =	shalt  }
0x51: {  	_ =	shalt  }
0x52: {  	_ =	shalt  }
0x53: {  	_ =	shalt  }
0x54: {  	_ =	shalt  }
0x55: {  	_ =	shalt  }
0x56: {  	_ =	shalt  }
0x57: {  	_ =	shalt  }
0x58: {  	_ =	shalt  }
0x59: {  	_ =	shalt  }
0x5a: {  	_ =	shalt  }
0x5b: {  	_ =	shalt  }
0x5c: {  	_ =	shalt  }
0x5d: {  	_ =	shalt  }
0x5e: {  	_ =	shalt  }
0x5f: {  	_ =	shalt  }
0x60: {  	_ =	shalt  }
0x61: {  	_ =	shalt  }
0x62: {  	_ =	shalt  }
0x63: {  	_ =	shalt  }
0x64: {  	_ =	shalt  }
0x65: {  	_ =	shalt  }
0x66: {  	_ =	shalt  }
0x67: {  	_ =	shalt  }
0x68: {  	_ =	shalt  }
0x69: {  	_ =	shalt  }
0x6a: {  	_ =	shalt  }
0x6b: {  	_ =	shalt  }
0x6c: {  	_ =	shalt  }
0x6d: {  	_ =	shalt  }
0x6e: {  	_ =	shalt  }
0x6f: {  	_ =	shalt  }
0x70: {  	_ =	shalt  }
0x71: {  	_ =	shalt  }
0x72: {  	_ =	shalt  }
0x73: {  	_ =	shalt  }
0x74: {  	_ =	shalt  }
0x75: {  	_ =	shalt  }
0x76: {  	_ =	shalt  }
0x77: {  	_ =	shalt  }
0x78: {  	_ =	shalt  }
0x79: {  	_ =	shalt  }
0x7a: {  	_ =	shalt  }
0x7b: {  	_ =	shalt  }
0x7c: {  	_ =	shalt  }
0x7d: {  	_ =	shalt  }
0x7e: {  	_ =	shalt  }
0x7f: {  	_ =	shalt  }
0x80: {  	_ =	shalt  }
0x81: {  	_ =	shalt  }
0x82: {  	_ =	shalt  }
0x83: {  	_ =	shalt  }
0x84: {  	_ =	shalt  }
0x85: {  	_ =	shalt  }
0x86: {  	_ =	shalt  }
0x87: {  	_ =	shalt  }
.Lfunc_end0:
.L_simem_size_0:
called_computation.1_lowered:
.L_overlay_start_0:
0x88: {  	s2 =	sld [smem:$0x3FD9]  }
0x89: {  	s3 =	sld [smem:$0x3FFE];
	_ =	sdelay $0x1  }
0x8a: {  	s1 =	srdreg.scid  }
0x8b: {  	s0 =	sand.u32 $0x1, s1  }
0x8c: {  	s17 =	sshll.u32 s0, $0xA;
	s2 =	sadd.s32 s3, s2  }
0x8d: {  	s2 =	sadd.s32 s2, s17  }
0x8e: {  	[smem:$0x3FC1] =	sst s2  }
0x8f: {  	_ = 	snop  }
0x90: {  	s2 =	sld [smem:$0x3FD0];
	(tm) =	ssettm $0x1  }
0x91: {  	s18 =	sld [smem:$0x3FFB];
	_ =	sdelay $0x3  }
0x92: {  	_ =	strace s18  }
0x93: {  	s3 =	sld [smem:$0x3FFC];
	_ =	sdelay $0x3  }
0x94: {  	_ =	strace s3  }
0x95: {  	s3 =	sld [smem:$0x3FFD];
	_ =	sdelay $0x3  }
0x96: {  	_ =	strace s3  }
0x97: {  	_ =	strace $0x8FFFFFFF  }
0x98: {  	s19 =	sld [smem:$0x3FDB];
	_ =	sdelay $0x1  }
0x99: {  	s4 =	simm.s32 $_scs_section_size  }
0x9a: {  	s5 =	simm.s32 $_size__tile_overlayer_lowered;
	s6 =	simm.s32 $_tile_overlayer_lowered  }
0x9b: {  	s22 =	simm.s32 $0x1BFF;
	s21 =	sshll.u32 s6, $0x1;
	s3 =	sadd.s32 s4, s19  }
0x9c: {  	s7 =	simm.s32 $0x0;
	s20 =	sshll.u32 s5, $0x1;
	s5 =	sadd.s32 s21, s3  }
0x9d: {  	[timem:s7], [sflag:s22] =	dma.local [hbm:s5], s20  }
0x9e: {  	_ =	swait.ge [sflag:s22], s20  }
0x9f: {  	s4 =	ssub.s32 $0x0, s20;
	[sflag:s22] =	ssyncset.done $0x0  }
0xa0: {  	[sflag:s22] =	ssyncadd.s32 s4;
	_ =	sdelay $0x1  }
0xa1: {  	s23 =	simm.s32 $0x1B8B  }
0xa2: {  	_ =	swait.ge [sflag:s23], $0x1  }
0xa3: {  	[sflag:s23] =	ssyncset.done $0x0  }
0xa4: {  	s25 =	simm.s32 $0x1B8E;
	s24 =	sld [smem:$0x3FFE];
	[sflag:s23] =	ssyncadd.s32 $0xFFFFFFFF  }
0xa5: {  	s26 =	simm.s32 $execute0_lowered;
	[smem:$0x3FD2] =	sst s25  }
0xa6: {  	s5 =	sshll.u32 s26, $0x1;
	_ =	strace $0x80000049;
	[dreg:$0x1] =	wrdreg $0xFFFFFFFF  }
0xa7: {  	s28 =	simm.s32 $_size_execute0_lowered;
	s3 =	sadd.s32 s3, s5;
	[dreg:$0x0] =	wrdreg $0x0  }
0xa8: {  	s5 =	sshll.u32 s28, $0x1;
	[dreg:$0x2] =	wrdreg s3  }
0xa9: {  	[dreg:$0x3] =	wrdreg s5  }
0xaa: {  	[dreg:$0x4] =	wrdreg $0xC0  }
0xab: {  	_ =	task [dreg:s7], $0x5FFFF  }
0xac: {  	[dreg:$0x1] =	wrdreg $0xFFFFFFFF  }
0xad: {  	[dreg:$0x0] =	wrdreg $0x60  }
0xae: {  	[dreg:$0x2] =	wrdreg s24  }
0xaf: {  	[dreg:$0x3] =	wrdreg s2  }
0xb0: {  	[dreg:$0x4] =	wrdreg $0x9  }
0xb1: {  	_ =	task.clear_ibuf [dreg:s7], $0x5FFFF;
	_ =	strace $0x90000049  }
0xb2: {  	s29 =	simm.s32 $0x9;
	_ =	strace $0x8000004B  }
0xb3: {  	_ =	swait.ge [sflag:s29], $0x1  }
0xb4: {  	[sflag:s29] =	ssyncadd.s32 $0xFFFFFFFF  }
0xb5: {  	_ =	strace $0x9000004B  }
0xb6: {  	_ =	sfence  }
0xb7: {  	s30 =	sld [smem:$0x0];
	_ =	sdelay $0x2  }
0xb8: {  	s31 =	sshll.u32 s1, $0xD;
	s1 =	sshrl.u32 s1, $0x2  }
0xb9: {  	s3 =	sand.u32 $0x4000, s31;
	s1 =	sadd.s32 s1, s30  }
0xba: {  	s0 =	sor.u32 s3, s0;
	s1 =	sshll.u32 s1, $0x11  }
0xbb: {  	s0 =	sor.u32 s1, s0  }
0xbc: {  	s0 =	sadd.s32 $0x8F2B, s0  }
0xbd: {  	[sflag:s0] =	ssyncadd.remote.s32 $0x1  }
0xbe: {  	_ =	sfence.sel $0xFFFF  }
0xbf: {  	[dreg:$0x0] =	wrdreg $0xFFFFFFFF;
	(pc) =	sbr.abs _section_cstart, $3  }
0xc0: {  	[dreg:$0x1] =	wrdreg $0xFFFFFFFF  }
0xc1: {  	_ =	task.clear_ibuf [dreg:s7], $0x2FFFF;
	_ =	strace $0x9FFFFFFF  }
0xc2: {  	(tm) =	ssettm $0x7FFFFFFF  }
0xc3: {  	_ =	shalt  }
tec
execute0_lowered:
.L_overlay_start_1:
0x0: {  	(tag) =	ssettag $0x1  }
0x1: {  	s0 =	rddreg [dreg:$0x0]  }
0x2: {  	s5 =	rddreg [dreg:$0x1];
	s3 =	srdreg.scid  }
0x3: {  	s2 =	simm.s32 $0x0;
	s1 =	stileid.u32;
	s26 =	simm.s32 $0x880  }
0x4: {  	s10 =	simm.s32 $0x1880;
	s11 =	simm.s32 $0x2080;
	s12 =	simm.s32 $0x2880  }
0x5: {  	s13 =	simm.s32 $0x3080;
	s14 =	simm.s32 $0x3880;
	s15 =	simm.s32 $0x4080  }
0x6: {  	s16 =	simm.s32 $0x4880;
	s17 =	simm.s32 $0x5080;
	s18 =	simm.s32 $0x5880  }
0x7: {  	s19 =	simm.s32 $0x6080;
	s20 =	simm.s32 $0x6880;
	s21 =	simm.s32 $0x7080  }
0x8: {  	s22 =	simm.s32 $0x7880;
	s28 =	simm.s32 $0xA080;
	s29 =	simm.s32 $0xA880  }
0x9: {  	s30 =	simm.s32 $0xB080;
	s31 =	simm.s32 $0xB880;
	s3 =	sand.u32 $0x1, s3  }
0xa: {  	[smem:$0x7FF] =	sst s2;
	s4 =	sshll.u32 s1, $0x4;
	s6 =	sshll.u32 s3, $0x3  }
0xb: {  	_ =	strace $0x8000004A;
	s23 =	ssub.s32 $0x2, s3;
	s3 =	sadd.s32 $0x64200, s0  }
0xc: {  	[dreg:$0x5] =	wrdreg s26;
	s26 =	simm.s32 $0x9880;
	s4 =	sor.u32 s6, s4  }
0xd: {  	s8 =	sshrl.u32 s23, $0x1;
	s7 =	sadd.s32 s4, s0;
	s9 =	smul.u32 $0x300, s4  }
0xe: {  	s6 =	ssub.s32 s23, s8;
	s4 =	sadd.s32 $0x64300, s0;
	s8 =	simm.s32 $0x80  }
0xf: {  	s23 =	simm.s32 $0x8080;
	s24 =	sadd.s32 $0x1C00, s7;
	s6 =	smax.u32 s6, $0x1  }
0x10: {  	v2 =	vlaneseq.u32;
	s7 =	simm.s32 $0x2;
	[dreg:$0x3] =	wrdreg s24;
	s25 =	sadd.s32 s5, s9  }
0x11: {  	vm0 =	vmmov $0xffff;
	v1 =	vshrl.u32 v2, $0x3;
	s5 =	sadd.s32 $0x64400, s0;
	s9 =	simm.s32 $0x1080;
	s24 =	simm.s32 $0x8880  }
0x12: {  	v0 =	vand.u32 $0x7, v2;
	v2 =	vor.u32 $0x8, v2;
	v1 =	vmul.u32 $0x8, v1;
	s0 =	simm.s32 $0x1;
	[dreg:$0x4] =	wrdreg s25;
	s25 =	simm.s32 $0x9080  }
.LBB2_1:
0x13: {  	s1 =	rddreg [dreg:$0x3]  }
0x14: {  	[tilespmem:s2], [sflag:$0x2] =	stream.linear.gather [hbm4b:s1+s2], $0x40, $0x38;
	[tilespmem:$0xC080] =	vst v63  }
0x15: {  	_ =	swait.ge [sflag:s7], $0x40  }
0x16: {  	[sflag:s7] =	ssyncset.done $0x0  }
0x17: {  	[sflag:s7] =	ssyncadd.s32 $0xFFFFFFC0  }
0x18: {  	v3 =	vld [tilespmem:$0x0];
	_ =	sdelay $0x4  }
0x19: {  	v4 =	vshrl.u32 v3, $0x3  }
0x1a: {  	v4 =	vmul.u32 $0x30, v4  }
0x1b: {  	v3 =	vand.u32 $0x7, v3  }
0x1c: {  	v3 =	vor.u32 v3, v4  }
0x1d: {  	v4 =	vperm.xlane v3, v0;
	_ =	sdelay $0x1  }
0x1e: {  	v4 =	vadd.s32 v1, v4;
	_ =	sdelay $0x3  }
0x1f: {  	v3 =	vperm.xlane v3, v2  }
0x20: {  	[tilespmem:s8], [sflag:$0x1] =	stream.indirect_vreg.gather [hbm4b:s3+s2], $0x80, v4, vm0, $0xb8;
	[tilespmem:$0xC080] =	vst v63  }
0x21: {  	s1 =	rddreg [dreg:$0x5];
	v3 =	vadd.s32 v1, v3  }
0x22: {  	[tilespmem:s1], [sflag:$0x1] =	stream.indirect_vreg.gather [hbm4b:s4+s2], $0x80, v4, vm0, $0xb8;
	[tilespmem:$0xC080] =	vst v63  }
0x23: {  	_ = 	snop  }
0x24: {  	[tilespmem:s9], [sflag:$0x1] =	stream.indirect_vreg.gather [hbm4b:s5+s2], $0x80, v4, vm0, $0xb8;
	[tilespmem:$0xC080] =	vst v63  }
0x25: {  	_ = 	snop  }
0x26: {  	[tilespmem:s10], [sflag:$0x1] =	stream.indirect_vreg.gather [hbm4b:s3+s2], $0x80, v3, vm0, $0xb8;
	[tilespmem:$0xC080] =	vst v63  }
0x27: {  	_ = 	snop  }
0x28: {  	[tilespmem:s11], [sflag:$0x1] =	stream.indirect_vreg.gather [hbm4b:s4+s2], $0x80, v3, vm0, $0xb8;
	[tilespmem:$0xC080] =	vst v63  }
0x29: {  	_ = 	snop  }
0x2a: {  	[tilespmem:s12], [sflag:$0x1] =	stream.indirect_vreg.gather [hbm4b:s5+s2], $0x80, v3, vm0, $0xb8;
	[tilespmem:$0xC080] =	vst v63  }
0x2b: {  	v3 =	vld [tilespmem:$0x10];
	_ =	sdelay $0x4  }
0x2c: {  	v61 =	vshrl.u32 v3, $0x3  }
0x2d: {  	v4 =	vmul.u32 $0x30, v61  }
0x2e: {  	v3 =	vand.u32 $0x7, v3  }
0x2f: {  	v3 =	vor.u32 v3, v4  }
0x30: {  	v4 =	vperm.xlane v3, v0;
	_ =	sdelay $0x1  }
0x31: {  	v4 =	vadd.s32 v1, v4;
	_ =	sdelay $0x3  }
0x32: {  	v3 =	vperm.xlane v3, v2  }
0x33: {  	[tilespmem:s13], [sflag:$0x1] =	stream.indirect_vreg.gather [hbm4b:s3+s2], $0x80, v4, vm0, $0xb8;
	[tilespmem:$0xC080] =	vst v63  }
0x34: {  	v3 =	vadd.s32 v1, v3  }
0x35: {  	[tilespmem:s14], [sflag:$0x1] =	stream.indirect_vreg.gather [hbm4b:s4+s2], $0x80, v4, vm0, $0xb8;
	[tilespmem:$0xC080] =	vst v63  }
0x36: {  	_ = 	snop  }
0x37: {  	[tilespmem:s15], [sflag:$0x1] =	stream.indirect_vreg.gather [hbm4b:s5+s2], $0x80, v4, vm0, $0xb8;
	[tilespmem:$0xC080] =	vst v63  }
0x38: {  	_ = 	snop  }
0x39: {  	[tilespmem:s16], [sflag:$0x1] =	stream.indirect_vreg.gather [hbm4b:s3+s2], $0x80, v3, vm0, $0xb8;
	[tilespmem:$0xC080] =	vst v63  }
0x3a: {  	_ = 	snop  }
0x3b: {  	[tilespmem:s17], [sflag:$0x1] =	stream.indirect_vreg.gather [hbm4b:s4+s2], $0x80, v3, vm0, $0xb8;
	[tilespmem:$0xC080] =	vst v63  }
0x3c: {  	_ = 	snop  }
0x3d: {  	[tilespmem:s18], [sflag:$0x1] =	stream.indirect_vreg.gather [hbm4b:s5+s2], $0x80, v3, vm0, $0xb8;
	[tilespmem:$0xC080] =	vst v63  }
0x3e: {  	v3 =	vld [tilespmem:$0x20];
	_ =	sdelay $0x4  }
0x3f: {  	v62 =	vshrl.u32 v3, $0x3  }
0x40: {  	v4 =	vmul.u32 $0x30, v62  }
0x41: {  	v3 =	vand.u32 $0x7, v3  }
0x42: {  	v3 =	vor.u32 v3, v4  }
0x43: {  	v4 =	vperm.xlane v3, v0;
	_ =	sdelay $0x1  }
0x44: {  	v4 =	vadd.s32 v1, v4;
	_ =	sdelay $0x3  }
0x45: {  	v3 =	vperm.xlane v3, v2  }
0x46: {  	[tilespmem:s19], [sflag:$0x1] =	stream.indirect_vreg.gather [hbm4b:s3+s2], $0x80, v4, vm0, $0xb8;
	[tilespmem:$0xC080] =	vst v63  }
0x47: {  	v3 =	vadd.s32 v1, v3  }
0x48: {  	[tilespmem:s20], [sflag:$0x1] =	stream.indirect_vreg.gather [hbm4b:s4+s2], $0x80, v4, vm0, $0xb8;
	[tilespmem:$0xC080] =	vst v63  }
0x49: {  	_ = 	snop  }
0x4a: {  	[tilespmem:s21], [sflag:$0x1] =	stream.indirect_vreg.gather [hbm4b:s5+s2], $0x80, v4, vm0, $0xb8;
	[tilespmem:$0xC080] =	vst v63  }
0x4b: {  	_ = 	snop  }
0x4c: {  	[tilespmem:s22], [sflag:$0x1] =	stream.indirect_vreg.gather [hbm4b:s3+s2], $0x80, v3, vm0, $0xb8;
	[tilespmem:$0xC080] =	vst v63  }
0x4d: {  	_ = 	snop  }
0x4e: {  	[tilespmem:s23], [sflag:$0x1] =	stream.indirect_vreg.gather [hbm4b:s4+s2], $0x80, v3, vm0, $0xb8;
	[tilespmem:$0xC080] =	vst v63  }
0x4f: {  	_ = 	snop  }
0x50: {  	[tilespmem:s24], [sflag:$0x1] =	stream.indirect_vreg.gather [hbm4b:s5+s2], $0x80, v3, vm0, $0xb8;
	[tilespmem:$0xC080] =	vst v63  }
0x51: {  	v3 =	vld [tilespmem:$0x30];
	_ =	sdelay $0x4  }
0x52: {  	v63 =	vshrl.u32 v3, $0x3  }
0x53: {  	v4 =	vmul.u32 $0x30, v63  }
0x54: {  	v3 =	vand.u32 $0x7, v3  }
0x55: {  	v3 =	vor.u32 v3, v4  }
0x56: {  	v4 =	vperm.xlane v3, v0;
	_ =	sdelay $0x1  }
0x57: {  	v4 =	vadd.s32 v1, v4;
	_ =	sdelay $0x3  }
0x58: {  	v3 =	vperm.xlane v3, v2  }
0x59: {  	[tilespmem:s25], [sflag:$0x1] =	stream.indirect_vreg.gather [hbm4b:s3+s2], $0x80, v4, vm0, $0xb8;
	[tilespmem:$0xC080] =	vst v63  }
0x5a: {  	v3 =	vadd.s32 v1, v3  }
0x5b: {  	[tilespmem:s26], [sflag:$0x1] =	stream.indirect_vreg.gather [hbm4b:s4+s2], $0x80, v4, vm0, $0xb8;
	[tilespmem:$0xC080] =	vst v63  }
0x5c: {  	_ = 	snop  }
0x5d: {  	[tilespmem:s28], [sflag:$0x1] =	stream.indirect_vreg.gather [hbm4b:s5+s2], $0x80, v4, vm0, $0xb8;
	[tilespmem:$0xC080] =	vst v63  }
0x5e: {  	_ = 	snop  }
0x5f: {  	[tilespmem:s29], [sflag:$0x1] =	stream.indirect_vreg.gather [hbm4b:s3+s2], $0x80, v3, vm0, $0xb8;
	[tilespmem:$0xC080] =	vst v63  }
0x60: {  	_ = 	snop  }
0x61: {  	[tilespmem:s30], [sflag:$0x1] =	stream.indirect_vreg.gather [hbm4b:s4+s2], $0x80, v3, vm0, $0xb8;
	[tilespmem:$0xC080] =	vst v63  }
0x62: {  	_ = 	snop  }
0x63: {  	[tilespmem:s31], [sflag:$0x1] =	stream.indirect_vreg.gather [hbm4b:s5+s2], $0x80, v3, vm0, $0xb8;
	[tilespmem:$0xC080] =	vst v63  }
0x64: {  	_ =	swait.ge [sflag:s0], $0xC000  }
0x65: {  	p0 =	sne.s32 s6, $0x1;
	[sflag:s0] =	ssyncset.done $0x0  }
.Ltmp0:
0x66: {  	s1 =	rddreg [dreg:$0x4];
	[sflag:s0] =	ssyncadd.s32 $0xFFFF4000;
	(pc) =	sbr.rel @p0 .LBB2_1-.Ltmp0, $4  }
0x67: {  	[hbm4b:s1+s2] =	stream.linear.scatter [tilespmem:s8], [sflag:$0x2], $0xC000, $0x38;
	[tilespmem:$0xC080] =	vst v63  }
0x68: {  	_ =	swait.ge [sflag:s7], $0xC000  }
0x69: {  	[sflag:s7] =	ssyncset.done $0x0  }
0x6a: {  	s6 =	sadd.s32 $0xFFFFFFFF, s6;
	[sflag:s7] =	ssyncadd.s32 $0xFFFF4000  }
0x6b: {  	_ =	sfence.sel $0x180000  }
0x6c: {  	[bflag:$0x0] =	sbarrier.arrive $0xFFFF  }
0x6d: {  	_ =	strace $0x9000004A  }
0x6e: {  	s0 =	stileid.u32;
	[bflag:$0x2] =	sbarrier.arrive $0xFFFF  }
0x6f: {  	p0 =	sne.s32 s0, $0x0;
	s0 =	rddreg [dreg:$0x2]  }
0x70: {  	s0 =	sadd.s32 @!p0 $0x100000, s0  }
0x71: {  	[sflag:s0] =	ssyncadd.tile.s32 @!p0 $0x1;
	_ =	shalt  }
.Lfunc_end2:
_tile_overlayer_lowered:
.L_overlay_start_2:
0x72: {  	(tag) =	ssettag $0x2  }
0x73: {  	s0 =	rddreg [dreg:$0x0];
	s2 =	stileid.u32  }
0x74: {  	s1 =	rddreg [dreg:$0x1];
	p0 =	sne.s32 s2, $0x0  }
0x75: {  	s3 =	rddreg [dreg:$0x2];
	[bflag:$0x3] =	sbarrier.arrive $0xFFFF;
	s2 =	simm.s32 @!p0 $0x1C02  }
0x76: {  	[timem:s3], [sflag:s2] =	dma.local @!p0 [hbm:s0], s1  }
0x77: {  	s0 =	simm.s32 @!p0 $0x2  }
0x78: {  	_ =	swait.ge @!p0 [sflag:s0], s1  }
0x79: {  	s1 =	ssub.s32 @!p0 $0x0, s1;
	[sflag:s0] =	ssyncset.done @!p0 $0x0  }
0x7a: {  	[sflag:s0] =	ssyncadd.s32 @!p0 s1  }
0x7b: {  	[bflag:$0x3] =	sbarrier.arrive $0xFFFF  }
0x7c: {  	_ =	shalt  }

</sc_bundles>
